<compile_context>
chip_gen: v7x
topology: tpu7x:2x2x1
jax: 0.10.2.dev20260603
libtpu: 0.0.44.dev20260713+nightly
codegen_flags: <defaults>
</compile_context>

<pallas_src>
import functools

import jax
import jax.numpy as jnp
from jax import lax
from jax.experimental import pallas as pl
from jax.experimental.pallas import tpu as pltpu
from jax.experimental.pallas import tpu_sc as plsc

N = 10000
E = 320000
D = 128
NC = 2
NS = 16
NW = NC * NS
EP = E // NW
CH = 80
NCH = EP // CH
ZR = 40
NZC = N // ZR

_mesh = plsc.VectorSubcoreMesh(core_axis_name="c", subcore_axis_name="s")


def _lane_bcast(v16, j):
    return lax.gather(
        v16, jnp.full((16, 1), j, jnp.int32),
        dimension_numbers=lax.GatherDimensionNumbers(
            offset_dims=(), collapsed_slice_dims=(0,), start_index_map=(0,)),
        slice_sizes=(1,),
        mode=lax.GatherScatterMode.PROMISE_IN_BOUNDS)


@functools.partial(
    pl.kernel,
    out_type=jax.ShapeDtypeStruct((NC, N, D), jnp.float32),
    mesh=_mesh,
    scratch_types=[
        pltpu.VMEM((CH,), jnp.int32),
        pltpu.VMEM((CH,), jnp.int32),
        pltpu.VMEM((CH,), jnp.float32),
        pltpu.VMEM((CH, D), jnp.float32),
        pltpu.VMEM((ZR, D), jnp.float32),
        pltpu.VMEM_SHARED((N, D), jnp.float32),
        pltpu.SemaphoreType.DMA,
    ],
)
def _propagate(x_hbm, src_hbm, dst_hbm, w_hbm, out_hbm,
               src_v, dst_v, w_v, rows_v, zero_v, acc_sh, sem):
    cid = lax.axis_index("c")
    sid = lax.axis_index("s")
    wid = cid * NS + sid

    zeros16 = jnp.zeros((16,), jnp.float32)
    my_chunks = jnp.where(sid < NZC % NS, NZC // NS + 1, NZC // NS)

    def zfill(i, carry):
        for cc in range(D // 16):
            zero_v[i, pl.ds(cc * 16, 16)] = zeros16
        return carry

    lax.fori_loop(0, ZR, zfill, 0)

    def zcopy(k, carry):
        r0 = pl.multiple_of((sid + k * NS) * ZR, 8)
        pltpu.sync_copy(zero_v, acc_sh.at[pl.ds(r0, ZR)])
        return carry

    lax.fori_loop(0, my_chunks, zcopy, 0)
    plsc.subcore_barrier()

    def chunk_body(c, carry):
        base = pl.multiple_of(wid * EP + c * CH, 8)
        pltpu.sync_copy(src_hbm.at[pl.ds(base, CH)], src_v)
        pltpu.sync_copy(dst_hbm.at[pl.ds(base, CH)], dst_v)
        pltpu.sync_copy(w_hbm.at[pl.ds(base, CH)], w_v)
        pltpu.async_copy(x_hbm.at[src_v], rows_v, sem).wait()

        def group_body(g, gcarry):
            w16 = w_v[pl.ds(g * 16, 16)]
            for j in range(16):
                wspl = _lane_bcast(w16, j)
                e = g * 16 + j
                for cc in range(D // 16):
                    sl = pl.ds(cc * 16, 16)
                    rows_v[e, sl] = rows_v[e, sl] * wspl
            return gcarry

        lax.fori_loop(0, CH // 16, group_body, 0)
        pltpu.sync_copy(rows_v, acc_sh.at[dst_v], add=True)
        return carry

    lax.fori_loop(0, NCH, chunk_body, 0)
    plsc.subcore_barrier()

    def ocopy(k, carry):
        r0 = pl.multiple_of((sid + k * NS) * ZR, 8)
        pltpu.sync_copy(acc_sh.at[pl.ds(r0, ZR)],
                        out_hbm.at[cid, pl.ds(r0, ZR)])
        return carry

    lax.fori_loop(0, my_chunks, ocopy, 0)


_BM = 2000


def _mm_body(hp_ref, w_ref, o_ref):
    h = hp_ref[0] + hp_ref[1]
    o_ref[...] = jnp.dot(h, w_ref[...], preferred_element_type=jnp.float32)


def _matmul(hp, W0):
    return pl.pallas_call(
        _mm_body,
        grid=(N // _BM,),
        in_specs=[
            pl.BlockSpec((NC, _BM, D), lambda i: (0, i, 0)),
            pl.BlockSpec((D, D), lambda i: (0, 0)),
        ],
        out_specs=pl.BlockSpec((_BM, D), lambda i: (i, 0)),
        out_shape=jax.ShapeDtypeStruct((N, D), jnp.float32),
    )(hp, W0)


def kernel(x, edge_index, edge_weight, W0):
    dst = edge_index[0].astype(jnp.int32)
    src = edge_index[1].astype(jnp.int32)
    hp = _propagate(x, src, dst, edge_weight.astype(jnp.float32))
    return _matmul(hp, W0)

# --- scband reference (transcript-rebuilt; emitter-appended) ---
"""Pipeline reference for scband-gcn-71244917506308 (READ-ONLY COPY).

The authoritative reference and input builder live on the scoring server;
editing this copy changes nothing except your own understanding.
"""

import jax, jax.numpy as jnp
import numpy as np

N = 10000
E = 320000
D_IN = 128
D_OUT = 128
FACTOR = 1.0
REPEAT = 1


def setup_inputs(seed: int = 0) -> dict:
    key = jax.random.key(seed)
    k1, k2, k3, k4 = jax.random.split(key, 4)
    x = jax.random.normal(k1, (N, D_IN), dtype=jnp.float32)
    edge_index = jax.random.randint(k2, (2, E), 0, N)
    edge_weight = jax.random.uniform(k3, (E,), dtype=jnp.float32)
    # single linear layer weight per nodes=[128,128], bias=False
    W0 = jax.random.normal(k4, (D_IN, D_OUT), dtype=jnp.float32) / np.sqrt(D_IN)
    return {"x": x, "edge_index": edge_index, "edge_weight": edge_weight, "W0": W0}


def reference(x, edge_index, edge_weight, W0):
    # GCN.forward: for each chain layer -> propagate (sparse.mm * factor, repeated), then linear + activation
    dst = edge_index[0]
    src = edge_index[1]
    h = x
    # _propagate: h = support @ h (sparse mm) * factor, repeated `repeat` times
    for _ in range(REPEAT):
        msgs = h[src] * edge_weight[:, None]
        h = jax.ops.segment_sum(msgs, dst, num_segments=N) * FACTOR
    # chain layer 0: linear (no bias), identity activation, dropout=0.0
    h = h @ W0
    return h

if __name__ == "__main__":
    import jax
    _d = setup_inputs()
    print(jax.jit(kernel)(*tuple(_d.values())))

</pallas_src>

<mosaic_0001>
#map = affine_map<(d0, d1) -> (0, 0)>
#map1 = affine_map<(d0, d1) -> (0)>
#map2 = affine_map<(d0, d1) -> (0, 0, 0)>
module attributes {stable_mosaic.version = 14 : i64} {
  func.func @_propagate(%arg0: i32, %arg1: i32, %arg2: memref<10000x128xf32, #tpu.memory_space<hbm>>, %arg3: memref<320000xi32, #tpu.memory_space<hbm>>, %arg4: memref<320000xi32, #tpu.memory_space<hbm>>, %arg5: memref<320000xf32, #tpu.memory_space<hbm>>, %arg6: memref<2x10000x128xf32, #tpu.memory_space<hbm>>, %arg7: memref<80xi32, #tpu.memory_space<vmem>>, %arg8: memref<80xi32, #tpu.memory_space<vmem>>, %arg9: memref<80xf32, #tpu.memory_space<vmem>>, %arg10: memref<80x128xf32, #tpu.memory_space<vmem>>, %arg11: memref<40x128xf32, #tpu.memory_space<vmem>>, %arg12: memref<10000x128xf32, #tpu.memory_space<vmem_shared>>, %arg13: memref<!tpu.dma_semaphore, #tpu.memory_space<semaphore_mem>>) attributes {dimension_semantics = [#tpu.dimension_semantics<core_parallel>, #tpu.dimension_semantics<subcore_parallel>], iteration_bounds = array<i64: 2, 16>, scalar_prefetch = 0 : i64, scratch_operands = 7 : i64, tpu.core_type = #tpu.core_type<sc_vector_subcore>, window_params = [{transform_indices = #map}, {transform_indices = #map1}, {transform_indices = #map1}, {transform_indices = #map1}, {transform_indices = #map2}]} {
    %mul3A = arith.constant 16 : i32
    %mul3A_0 = arith.muli %arg0, %mul3A : i32
    %add3A = arith.addi %mul3A_0, %arg1 : i32
    %broadcast_in_dim3A = arith.constant 0.000000e+00 : f32
    %broadcast_in_dim3A_1 = vector.broadcast %broadcast_in_dim3A : f32 to vector<16xf32>
    %lt3A = arith.constant 10 : i32
    %lt3A_2 = arith.cmpi slt, %arg1, %lt3A : i32
    %jit3A = arith.constant 16 : i32
    %jit3A_3 = arith.constant 15 : i32
    %select_n3A = arith.select %lt3A_2, %jit3A, %jit3A_3 : i32
    %scan3A = arith.constant 0 : i32
    %scan3A_4 = arith.constant 0 : i32
    %scan3A_5 = arith.constant 40 : i32
    %scan3A_6 = arith.addi %scan3A_4, %scan3A_5 : i32
    %scan3A_7 = arith.constant 1 : i32
    scf.for %scan3A_35 = %scan3A_4 to %scan3A_6 step %scan3A_7  : i32 {
      %swap3A = arith.index_cast %scan3A_35 : i32 to index
      %swap3A_36 = arith.constant 0 : index
      %swap3A_37 = tpu.vector_load %arg11[%swap3A, %swap3A_36] {strides = array<i32>} : memref<40x128xf32, #tpu.memory_space<vmem>>, vector<1x16xf32>,
      %swap3A_38 = vector.shape_cast %swap3A_37 : vector<1x16xf32> to vector<16xf32>
      %swap3A_39 = vector.shape_cast %broadcast_in_dim3A_1 : vector<16xf32> to vector<1x16xf32>
      tpu.vector_store %arg11[%swap3A, %swap3A_36], %swap3A_39 {strides = array<i32>} : memref<40x128xf32, #tpu.memory_space<vmem>>, vector<1x16xf32>,
      %swap3A_40 = arith.index_cast %scan3A_35 : i32 to index
      %swap3A_41 = arith.constant 16 : index
      %swap3A_42 = tpu.vector_load %arg11[%swap3A_40, %swap3A_41] {strides = array<i32>} : memref<40x128xf32, #tpu.memory_space<vmem>>, vector<1x16xf32>,
      %swap3A_43 = vector.shape_cast %swap3A_42 : vector<1x16xf32> to vector<16xf32>
      %swap3A_44 = vector.shape_cast %broadcast_in_dim3A_1 : vector<16xf32> to vector<1x16xf32>
      tpu.vector_store %arg11[%swap3A_40, %swap3A_41], %swap3A_44 {strides = array<i32>} : memref<40x128xf32, #tpu.memory_space<vmem>>, vector<1x16xf32>,
      %swap3A_45 = arith.index_cast %scan3A_35 : i32 to index
      %swap3A_46 = arith.constant 32 : index
      %swap3A_47 = tpu.vector_load %arg11[%swap3A_45, %swap3A_46] {strides = array<i32>} : memref<40x128xf32, #tpu.memory_space<vmem>>, vector<1x16xf32>,
      %swap3A_48 = vector.shape_cast %swap3A_47 : vector<1x16xf32> to vector<16xf32>
      %swap3A_49 = vector.shape_cast %broadcast_in_dim3A_1 : vector<16xf32> to vector<1x16xf32>
      tpu.vector_store %arg11[%swap3A_45, %swap3A_46], %swap3A_49 {strides = array<i32>} : memref<40x128xf32, #tpu.memory_space<vmem>>, vector<1x16xf32>,
      %swap3A_50 = arith.index_cast %scan3A_35 : i32 to index
      %swap3A_51 = arith.constant 48 : index
      %swap3A_52 = tpu.vector_load %arg11[%swap3A_50, %swap3A_51] {strides = array<i32>} : memref<40x128xf32, #tpu.memory_space<vmem>>, vector<1x16xf32>,
      %swap3A_53 = vector.shape_cast %swap3A_52 : vector<1x16xf32> to vector<16xf32>
      %swap3A_54 = vector.shape_cast %broadcast_in_dim3A_1 : vector<16xf32> to vector<1x16xf32>
      tpu.vector_store %arg11[%swap3A_50, %swap3A_51], %swap3A_54 {strides = array<i32>} : memref<40x128xf32, #tpu.memory_space<vmem>>, vector<1x16xf32>,
      %swap3A_55 = arith.index_cast %scan3A_35 : i32 to index
      %swap3A_56 = arith.constant 64 : index
      %swap3A_57 = tpu.vector_load %arg11[%swap3A_55, %swap3A_56] {strides = array<i32>} : memref<40x128xf32, #tpu.memory_space<vmem>>, vector<1x16xf32>,
      %swap3A_58 = vector.shape_cast %swap3A_57 : vector<1x16xf32> to vector<16xf32>
      %swap3A_59 = vector.shape_cast %broadcast_in_dim3A_1 : vector<16xf32> to vector<1x16xf32>
      tpu.vector_store %arg11[%swap3A_55, %swap3A_56], %swap3A_59 {strides = array<i32>} : memref<40x128xf32, #tpu.memory_space<vmem>>, vector<1x16xf32>,
      %swap3A_60 = arith.index_cast %scan3A_35 : i32 to index
      %swap3A_61 = arith.constant 80 : index
      %swap3A_62 = tpu.vector_load %arg11[%swap3A_60, %swap3A_61] {strides = array<i32>} : memref<40x128xf32, #tpu.memory_space<vmem>>, vector<1x16xf32>,
      %swap3A_63 = vector.shape_cast %swap3A_62 : vector<1x16xf32> to vector<16xf32>
      %swap3A_64 = vector.shape_cast %broadcast_in_dim3A_1 : vector<16xf32> to vector<1x16xf32>
      tpu.vector_store %arg11[%swap3A_60, %swap3A_61], %swap3A_64 {strides = array<i32>} : memref<40x128xf32, #tpu.memory_space<vmem>>, vector<1x16xf32>,
      %swap3A_65 = arith.index_cast %scan3A_35 : i32 to index
      %swap3A_66 = arith.constant 96 : index
      %swap3A_67 = tpu.vector_load %arg11[%swap3A_65, %swap3A_66] {strides = array<i32>} : memref<40x128xf32, #tpu.memory_space<vmem>>, vector<1x16xf32>,
      %swap3A_68 = vector.shape_cast %swap3A_67 : vector<1x16xf32> to vector<16xf32>
      %swap3A_69 = vector.shape_cast %broadcast_in_dim3A_1 : vector<16xf32> to vector<1x16xf32>
      tpu.vector_store %arg11[%swap3A_65, %swap3A_66], %swap3A_69 {strides = array<i32>} : memref<40x128xf32, #tpu.memory_space<vmem>>, vector<1x16xf32>,
      %swap3A_70 = arith.index_cast %scan3A_35 : i32 to index
      %swap3A_71 = arith.constant 112 : index
      %swap3A_72 = tpu.vector_load %arg11[%swap3A_70, %swap3A_71] {strides = array<i32>} : memref<40x128xf32, #tpu.memory_space<vmem>>, vector<1x16xf32>,
      %swap3A_73 = vector.shape_cast %swap3A_72 : vector<1x16xf32> to vector<16xf32>
      %swap3A_74 = vector.shape_cast %broadcast_in_dim3A_1 : vector<16xf32> to vector<1x16xf32>
      tpu.vector_store %arg11[%swap3A_70, %swap3A_71], %swap3A_74 {strides = array<i32>} : memref<40x128xf32, #tpu.memory_space<vmem>>, vector<1x16xf32>,
    }
    %scan3A_8 = arith.constant 40 : i32
    %while3A = arith.constant 0 : i32
    %while3A_9 = arith.constant 0 : i32
    %while3A_10 = arith.subi %select_n3A, %while3A_9 : i32
    %while3A_11 = arith.addi %while3A_9, %while3A_10 : i32
    %while3A_12 = arith.constant 1 : i32
    %while3A_13 = arith.divsi %while3A_10, %while3A_12 : i32
    %while3A_14 = arith.muli %while3A_13, %while3A_12 : i32
    %while3A_15 = arith.addi %while3A_9, %while3A_14 : i32
    %while3A_16 = arith.constant 1 : i32
    scf.for %while3A_35 = %while3A_9 to %while3A_15 step %while3A_16  : i32 {
      %mul3A_36 = arith.constant 16 : i32
      %mul3A_37 = arith.muli %while3A_35, %mul3A_36 : i32
      %add3A_38 = arith.addi %arg1, %mul3A_37 : i32
      %mul3A_39 = arith.constant 40 : i32
      %mul3A_40 = arith.muli %add3A_38, %mul3A_39 : i32
      %multiple_of3A = tpu.assume_multiple %mul3A_40, 8 : i32
      "tpu.region"() ({
        %run_scoped3A = tpu.sem_alloc : memref<!tpu.dma_semaphore, #tpu.memory_space<semaphore_mem>>
        %dma_start3A = arith.constant 0 : i32
        %dma_start3A_41 = tpu.memref_slice %arg12[%multiple_of3A, %dma_start3A] : memref<10000x128xf32, #tpu.memory_space<vmem_shared>> -> memref<40x128xf32, #tpu.memory_space<vmem_shared>>
        %dma_start3A_42 = arith.constant 0 : i32
        %dma_start3A_43 = tpu.memref_slice %arg12[%multiple_of3A, %dma_start3A_42] : memref<10000x128xf32, #tpu.memory_space<vmem_shared>> -> memref<40x128xf32, #tpu.memory_space<vmem_shared>>
        tpu.enqueue_dma source(%arg11 : memref<40x128xf32, #tpu.memory_space<vmem>>) target(%dma_start3A_43 : memref<40x128xf32, #tpu.memory_space<vmem_shared>>) target_semaphore(%run_scoped3A : memref<!tpu.dma_semaphore, #tpu.memory_space<semaphore_mem>>)
        %dma_wait3A = arith.constant 0 : i32
        %dma_wait3A_44 = tpu.memref_slice %arg12[%multiple_of3A, %dma_wait3A] : memref<10000x128xf32, #tpu.memory_space<vmem_shared>> -> memref<40x128xf32, #tpu.memory_space<vmem_shared>>
        %dma_wait3A_45 = arith.constant 0 : i32
        %dma_wait3A_46 = tpu.memref_slice %arg12[%multiple_of3A, %dma_wait3A_45] : memref<10000x128xf32, #tpu.memory_space<vmem_shared>> -> memref<40x128xf32, #tpu.memory_space<vmem_shared>>
        tpu.wait_dma2 semaphore(%run_scoped3A : memref<!tpu.dma_semaphore, #tpu.memory_space<semaphore_mem>>) src(%arg11 : memref<40x128xf32, #tpu.memory_space<vmem>>) dst(%dma_wait3A_46 : memref<40x128xf32, #tpu.memory_space<vmem_shared>>)
        tpu.yield
      }) : () -> ()
    }
    %while3A_17 = arith.constant 1 : i32
    scf.for %while3A_35 = %while3A_15 to %while3A_11 step %while3A_17  : i32 {
      %mul3A_36 = arith.constant 16 : i32
      %mul3A_37 = arith.muli %while3A_35, %mul3A_36 : i32
      %add3A_38 = arith.addi %arg1, %mul3A_37 : i32
      %mul3A_39 = arith.constant 40 : i32
      %mul3A_40 = arith.muli %add3A_38, %mul3A_39 : i32
      %multiple_of3A = tpu.assume_multiple %mul3A_40, 8 : i32
      "tpu.region"() ({
        %run_scoped3A = tpu.sem_alloc : memref<!tpu.dma_semaphore, #tpu.memory_space<semaphore_mem>>
        %dma_start3A = arith.constant 0 : i32
        %dma_start3A_41 = tpu.memref_slice %arg12[%multiple_of3A, %dma_start3A] : memref<10000x128xf32, #tpu.memory_space<vmem_shared>> -> memref<40x128xf32, #tpu.memory_space<vmem_shared>>
        %dma_start3A_42 = arith.constant 0 : i32
        %dma_start3A_43 = tpu.memref_slice %arg12[%multiple_of3A, %dma_start3A_42] : memref<10000x128xf32, #tpu.memory_space<vmem_shared>> -> memref<40x128xf32, #tpu.memory_space<vmem_shared>>
        tpu.enqueue_dma source(%arg11 : memref<40x128xf32, #tpu.memory_space<vmem>>) target(%dma_start3A_43 : memref<40x128xf32, #tpu.memory_space<vmem_shared>>) target_semaphore(%run_scoped3A : memref<!tpu.dma_semaphore, #tpu.memory_space<semaphore_mem>>)
        %dma_wait3A = arith.constant 0 : i32
        %dma_wait3A_44 = tpu.memref_slice %arg12[%multiple_of3A, %dma_wait3A] : memref<10000x128xf32, #tpu.memory_space<vmem_shared>> -> memref<40x128xf32, #tpu.memory_space<vmem_shared>>
        %dma_wait3A_45 = arith.constant 0 : i32
        %dma_wait3A_46 = tpu.memref_slice %arg12[%multiple_of3A, %dma_wait3A_45] : memref<10000x128xf32, #tpu.memory_space<vmem_shared>> -> memref<40x128xf32, #tpu.memory_space<vmem_shared>>
        tpu.wait_dma2 semaphore(%run_scoped3A : memref<!tpu.dma_semaphore, #tpu.memory_space<semaphore_mem>>) src(%arg11 : memref<40x128xf32, #tpu.memory_space<vmem>>) dst(%dma_wait3A_46 : memref<40x128xf32, #tpu.memory_space<vmem_shared>>)
        tpu.yield
      }) : () -> ()
    }
    %barrier3A = arith.constant 0 : index
    tpu.barrier barrier_id(%barrier3A)
    %scan3A_18 = arith.constant 0 : i32
    %scan3A_19 = arith.constant 0 : i32
    %scan3A_20 = arith.constant 125 : i32
    %scan3A_21 = arith.addi %scan3A_19, %scan3A_20 : i32
    %scan3A_22 = arith.constant 1 : i32
    scf.for %scan3A_35 = %scan3A_19 to %scan3A_21 step %scan3A_22  : i32 {
      %mul3A_36 = arith.constant 10000 : i32
      %mul3A_37 = arith.muli %add3A, %mul3A_36 : i32
      %mul3A_38 = arith.constant 80 : i32
      %mul3A_39 = arith.muli %scan3A_35, %mul3A_38 : i32
      %add3A_40 = arith.addi %mul3A_37, %mul3A_39 : i32
      %multiple_of3A = tpu.assume_multiple %add3A_40, 8 : i32
      "tpu.region"() ({
        %run_scoped3A = tpu.sem_alloc : memref<!tpu.dma_semaphore, #tpu.memory_space<semaphore_mem>>
        %dma_start3A_51 = tpu.memref_slice %arg3[%multiple_of3A] : memref<320000xi32, #tpu.memory_space<hbm>> -> memref<80xi32, #tpu.memory_space<hbm>>
        %dma_start3A_52 = tpu.memref_slice %arg3[%multiple_of3A] : memref<320000xi32, #tpu.memory_space<hbm>> -> memref<80xi32, #tpu.memory_space<hbm>>
        tpu.enqueue_dma source(%dma_start3A_52 : memref<80xi32, #tpu.memory_space<hbm>>) target(%arg7 : memref<80xi32, #tpu.memory_space<vmem>>) target_semaphore(%run_scoped3A : memref<!tpu.dma_semaphore, #tpu.memory_space<semaphore_mem>>)
        %dma_wait3A_53 = tpu.memref_slice %arg3[%multiple_of3A] : memref<320000xi32, #tpu.memory_space<hbm>> -> memref<80xi32, #tpu.memory_space<hbm>>
        %dma_wait3A_54 = tpu.memref_slice %arg3[%multiple_of3A] : memref<320000xi32, #tpu.memory_space<hbm>> -> memref<80xi32, #tpu.memory_space<hbm>>
        tpu.wait_dma2 semaphore(%run_scoped3A : memref<!tpu.dma_semaphore, #tpu.memory_space<semaphore_mem>>) src(%dma_wait3A_54 : memref<80xi32, #tpu.memory_space<hbm>>) dst(%arg7 : memref<80xi32, #tpu.memory_space<vmem>>)
        tpu.yield
      }) : () -> ()
      "tpu.region"() ({
        %run_scoped3A = tpu.sem_alloc : memref<!tpu.dma_semaphore, #tpu.memory_space<semaphore_mem>>
        %dma_start3A_51 = tpu.memref_slice %arg4[%multiple_of3A] : memref<320000xi32, #tpu.memory_space<hbm>> -> memref<80xi32, #tpu.memory_space<hbm>>
        %dma_start3A_52 = tpu.memref_slice %arg4[%multiple_of3A] : memref<320000xi32, #tpu.memory_space<hbm>> -> memref<80xi32, #tpu.memory_space<hbm>>
        tpu.enqueue_dma source(%dma_start3A_52 : memref<80xi32, #tpu.memory_space<hbm>>) target(%arg8 : memref<80xi32, #tpu.memory_space<vmem>>) target_semaphore(%run_scoped3A : memref<!tpu.dma_semaphore, #tpu.memory_space<semaphore_mem>>)
        %dma_wait3A_53 = tpu.memref_slice %arg4[%multiple_of3A] : memref<320000xi32, #tpu.memory_space<hbm>> -> memref<80xi32, #tpu.memory_space<hbm>>
        %dma_wait3A_54 = tpu.memref_slice %arg4[%multiple_of3A] : memref<320000xi32, #tpu.memory_space<hbm>> -> memref<80xi32, #tpu.memory_space<hbm>>
        tpu.wait_dma2 semaphore(%run_scoped3A : memref<!tpu.dma_semaphore, #tpu.memory_space<semaphore_mem>>) src(%dma_wait3A_54 : memref<80xi32, #tpu.memory_space<hbm>>) dst(%arg8 : memref<80xi32, #tpu.memory_space<vmem>>)
        tpu.yield
      }) : () -> ()
      "tpu.region"() ({
        %run_scoped3A = tpu.sem_alloc : memref<!tpu.dma_semaphore, #tpu.memory_space<semaphore_mem>>
        %dma_start3A_51 = tpu.memref_slice %arg5[%multiple_of3A] : memref<320000xf32, #tpu.memory_space<hbm>> -> memref<80xf32, #tpu.memory_space<hbm>>
        %dma_start3A_52 = tpu.memref_slice %arg5[%multiple_of3A] : memref<320000xf32, #tpu.memory_space<hbm>> -> memref<80xf32, #tpu.memory_space<hbm>>
        tpu.enqueue_dma source(%dma_start3A_52 : memref<80xf32, #tpu.memory_space<hbm>>) target(%arg9 : memref<80xf32, #tpu.memory_space<vmem>>) target_semaphore(%run_scoped3A : memref<!tpu.dma_semaphore, #tpu.memory_space<semaphore_mem>>)
        %dma_wait3A_53 = tpu.memref_slice %arg5[%multiple_of3A] : memref<320000xf32, #tpu.memory_space<hbm>> -> memref<80xf32, #tpu.memory_space<hbm>>
        %dma_wait3A_54 = tpu.memref_slice %arg5[%multiple_of3A] : memref<320000xf32, #tpu.memory_space<hbm>> -> memref<80xf32, #tpu.memory_space<hbm>>
        tpu.wait_dma2 semaphore(%run_scoped3A : memref<!tpu.dma_semaphore, #tpu.memory_space<semaphore_mem>>) src(%dma_wait3A_54 : memref<80xf32, #tpu.memory_space<hbm>>) dst(%arg9 : memref<80xf32, #tpu.memory_space<vmem>>)
        tpu.yield
      }) : () -> ()
      %dma_start3A = arith.constant 0 : i32
      %dma_start3A_41 = arith.constant 0 : i32
      %dma_start3A_42 = tpu.memref_slice %arg2[%dma_start3A, %dma_start3A_41] : memref<10000x128xf32, #tpu.memory_space<hbm>> -> memref<10000x128xf32, #tpu.memory_space<hbm>>
      tpu.enqueue_indirect_dma source(%dma_start3A_42 : memref<10000x128xf32, #tpu.memory_space<hbm>>) target(%arg10 : memref<80x128xf32, #tpu.memory_space<vmem>>) offsets(%arg7 : memref<80xi32, #tpu.memory_space<vmem>>) semaphore(%arg13 : memref<!tpu.dma_semaphore, #tpu.memory_space<semaphore_mem>>)
      %dma_wait3A = arith.constant 0 : i32
      %dma_wait3A_43 = arith.constant 0 : i32
      %dma_wait3A_44 = tpu.memref_slice %arg2[%dma_wait3A, %dma_wait3A_43] : memref<10000x128xf32, #tpu.memory_space<hbm>> -> memref<10000x128xf32, #tpu.memory_space<hbm>>
      tpu.wait_indirect_dma semaphore(%arg13 : memref<!tpu.dma_semaphore, #tpu.memory_space<semaphore_mem>>) src(%dma_wait3A_44 : memref<10000x128xf32, #tpu.memory_space<hbm>>) dst(%arg10 : memref<80x128xf32, #tpu.memory_space<vmem>>)
      %scan3A_45 = arith.constant 0 : i32
      %scan3A_46 = arith.constant 0 : i32
      %scan3A_47 = arith.constant 5 : i32
      %scan3A_48 = arith.addi %scan3A_46, %scan3A_47 : i32
      %scan3A_49 = arith.constant 1 : i32
      scf.for %scan3A_51 = %scan3A_46 to %scan3A_48 step %scan3A_49  : i32 {
        %mul3A_52 = arith.constant 16 : i32
        %mul3A_53 = arith.muli %scan3A_51, %mul3A_52 : i32
        %get3A = arith.index_cast %mul3A_53 : i32 to index
        %get3A_54 = tpu.vector_load %arg9[%get3A] {strides = array<i32>} : memref<80xf32, #tpu.memory_space<vmem>>, vector<16xf32>,
        %get3A_55 = vector.shape_cast %get3A_54 : vector<16xf32> to vector<16xf32>
        %broadcast_in_dim3A_56 = arith.constant 0 : i32
        %broadcast_in_dim3A_57 = vector.broadcast %broadcast_in_dim3A_56 : i32 to vector<16x1xi32>
        %gather3A = vector.shape_cast %broadcast_in_dim3A_57 : vector<16x1xi32> to vector<16xi32>
        %gather3A_58 = tpu.dynamic_gather %get3A_55[%gather3A] in [0] : vector<16xf32>, vector<16xi32> -> vector<16xf32>
        %mul3A_59 = arith.constant 16 : i32
        %mul3A_60 = arith.muli %scan3A_51, %mul3A_59 : i32
        %add3A_61 = arith.constant 0 : i32
        %add3A_62 = arith.addi %mul3A_60, %add3A_61 : i32
        %get3A_63 = arith.index_cast %add3A_62 : i32 to index
        %get3A_64 = arith.constant 0 : index
        %get3A_65 = tpu.vector_load %arg10[%get3A_63, %get3A_64] {strides = array<i32>} : memref<80x128xf32, #tpu.memory_space<vmem>>, vector<1x16xf32>,
        %get3A_66 = vector.shape_cast %get3A_65 : vector<1x16xf32> to vector<16xf32>
        %mul3A_67 = arith.mulf %get3A_66, %gather3A_58 : vector<16xf32>
        %swap3A = arith.index_cast %add3A_62 : i32 to index
        %swap3A_68 = arith.constant 0 : index
        %swap3A_69 = tpu.vector_load %arg10[%swap3A, %swap3A_68] {strides = array<i32>} : memref<80x128xf32, #tpu.memory_space<vmem>>, vector<1x16xf32>,
        %swap3A_70 = vector.shape_cast %swap3A_69 : vector<1x16xf32> to vector<16xf32>
        %swap3A_71 = vector.shape_cast %mul3A_67 : vector<16xf32> to vector<1x16xf32>
        tpu.vector_store %arg10[%swap3A, %swap3A_68], %swap3A_71 {strides = array<i32>} : memref<80x128xf32, #tpu.memory_space<vmem>>, vector<1x16xf32>,
        %get3A_72 = arith.index_cast %add3A_62 : i32 to index
        %get3A_73 = arith.constant 16 : index
        %get3A_74 = tpu.vector_load %arg10[%get3A_72, %get3A_73] {strides = array<i32>} : memref<80x128xf32, #tpu.memory_space<vmem>>, vector<1x16xf32>,
        %get3A_75 = vector.shape_cast %get3A_74 : vector<1x16xf32> to vector<16xf32>
        %mul3A_76 = arith.mulf %get3A_75, %gather3A_58 : vector<16xf32>
        %swap3A_77 = arith.index_cast %add3A_62 : i32 to index
        %swap3A_78 = arith.constant 16 : index
        %swap3A_79 = tpu.vector_load %arg10[%swap3A_77, %swap3A_78] {strides = array<i32>} : memref<80x128xf32, #tpu.memory_space<vmem>>, vector<1x16xf32>,
        %swap3A_80 = vector.shape_cast %swap3A_79 : vector<1x16xf32> to vector<16xf32>
        %swap3A_81 = vector.shape_cast %mul3A_76 : vector<16xf32> to vector<1x16xf32>
        tpu.vector_store %arg10[%swap3A_77, %swap3A_78], %swap3A_81 {strides = array<i32>} : memref<80x128xf32, #tpu.memory_space<vmem>>, vector<1x16xf32>,
        %get3A_82 = arith.index_cast %add3A_62 : i32 to index
        %get3A_83 = arith.constant 32 : index
        %get3A_84 = tpu.vector_load %arg10[%get3A_82, %get3A_83] {strides = array<i32>} : memref<80x128xf32, #tpu.memory_space<vmem>>, vector<1x16xf32>,
        %get3A_85 = vector.shape_cast %get3A_84 : vector<1x16xf32> to vector<16xf32>
        %mul3A_86 = arith.mulf %get3A_85, %gather3A_58 : vector<16xf32>
        %swap3A_87 = arith.index_cast %add3A_62 : i32 to index
        %swap3A_88 = arith.constant 32 : index
        %swap3A_89 = tpu.vector_load %arg10[%swap3A_87, %swap3A_88] {strides = array<i32>} : memref<80x128xf32, #tpu.memory_space<vmem>>, vector<1x16xf32>,
        %swap3A_90 = vector.shape_cast %swap3A_89 : vector<1x16xf32> to vector<16xf32>
        %swap3A_91 = vector.shape_cast %mul3A_86 : vector<16xf32> to vector<1x16xf32>
        tpu.vector_store %arg10[%swap3A_87, %swap3A_88], %swap3A_91 {strides = array<i32>} : memref<80x128xf32, #tpu.memory_space<vmem>>, vector<1x16xf32>,
        %get3A_92 = arith.index_cast %add3A_62 : i32 to index
        %get3A_93 = arith.constant 48 : index
        %get3A_94 = tpu.vector_load %arg10[%get3A_92, %get3A_93] {strides = array<i32>} : memref<80x128xf32, #tpu.memory_space<vmem>>, vector<1x16xf32>,
        %get3A_95 = vector.shape_cast %get3A_94 : vector<1x16xf32> to vector<16xf32>
        %mul3A_96 = arith.mulf %get3A_95, %gather3A_58 : vector<16xf32>
        %swap3A_97 = arith.index_cast %add3A_62 : i32 to index
        %swap3A_98 = arith.constant 48 : index
        %swap3A_99 = tpu.vector_load %arg10[%swap3A_97, %swap3A_98] {strides = array<i32>} : memref<80x128xf32, #tpu.memory_space<vmem>>, vector<1x16xf32>,
        %swap3A_100 = vector.shape_cast %swap3A_99 : vector<1x16xf32> to vector<16xf32>
        %swap3A_101 = vector.shape_cast %mul3A_96 : vector<16xf32> to vector<1x16xf32>
        tpu.vector_store %arg10[%swap3A_97, %swap3A_98], %swap3A_101 {strides = array<i32>} : memref<80x128xf32, #tpu.memory_space<vmem>>, vector<1x16xf32>,
        %get3A_102 = arith.index_cast %add3A_62 : i32 to index
        %get3A_103 = arith.constant 64 : index
        %get3A_104 = tpu.vector_load %arg10[%get3A_102, %get3A_103] {strides = array<i32>} : memref<80x128xf32, #tpu.memory_space<vmem>>, vector<1x16xf32>,
        %get3A_105 = vector.shape_cast %get3A_104 : vector<1x16xf32> to vector<16xf32>
        %mul3A_106 = arith.mulf %get3A_105, %gather3A_58 : vector<16xf32>
        %swap3A_107 = arith.index_cast %add3A_62 : i32 to index
        %swap3A_108 = arith.constant 64 : index
        %swap3A_109 = tpu.vector_load %arg10[%swap3A_107, %swap3A_108] {strides = array<i32>} : memref<80x128xf32, #tpu.memory_space<vmem>>, vector<1x16xf32>,
        %swap3A_110 = vector.shape_cast %swap3A_109 : vector<1x16xf32> to vector<16xf32>
        %swap3A_111 = vector.shape_cast %mul3A_106 : vector<16xf32> to vector<1x16xf32>
        tpu.vector_store %arg10[%swap3A_107, %swap3A_108], %swap3A_111 {strides = array<i32>} : memref<80x128xf32, #tpu.memory_space<vmem>>, vector<1x16xf32>,
        %get3A_112 = arith.index_cast %add3A_62 : i32 to index
        %get3A_113 = arith.constant 80 : index
        %get3A_114 = tpu.vector_load %arg10[%get3A_112, %get3A_113] {strides = array<i32>} : memref<80x128xf32, #tpu.memory_space<vmem>>, vector<1x16xf32>,
        %get3A_115 = vector.shape_cast %get3A_114 : vector<1x16xf32> to vector<16xf32>
        %mul3A_116 = arith.mulf %get3A_115, %gather3A_58 : vector<16xf32>
        %swap3A_117 = arith.index_cast %add3A_62 : i32 to index
        %swap3A_118 = arith.constant 80 : index
        %swap3A_119 = tpu.vector_load %arg10[%swap3A_117, %swap3A_118] {strides = array<i32>} : memref<80x128xf32, #tpu.memory_space<vmem>>, vector<1x16xf32>,
        %swap3A_120 = vector.shape_cast %swap3A_119 : vector<1x16xf32> to vector<16xf32>
        %swap3A_121 = vector.shape_cast %mul3A_116 : vector<16xf32> to vector<1x16xf32>
        tpu.vector_store %arg10[%swap3A_117, %swap3A_118], %swap3A_121 {strides = array<i32>} : memref<80x128xf32, #tpu.memory_space<vmem>>, vector<1x16xf32>,
        %get3A_122 = arith.index_cast %add3A_62 : i32 to index
        %get3A_123 = arith.constant 96 : index
        %get3A_124 = tpu.vector_load %arg10[%get3A_122, %get3A_123] {strides = array<i32>} : memref<80x128xf32, #tpu.memory_space<vmem>>, vector<1x16xf32>,
        %get3A_125 = vector.shape_cast %get3A_124 : vector<1x16xf32> to vector<16xf32>
        %mul3A_126 = arith.mulf %get3A_125, %gather3A_58 : vector<16xf32>
        %swap3A_127 = arith.index_cast %add3A_62 : i32 to index
        %swap3A_128 = arith.constant 96 : index
        %swap3A_129 = tpu.vector_load %arg10[%swap3A_127, %swap3A_128] {strides = array<i32>} : memref<80x128xf32, #tpu.memory_space<vmem>>, vector<1x16xf32>,
        %swap3A_130 = vector.shape_cast %swap3A_129 : vector<1x16xf32> to vector<16xf32>
        %swap3A_131 = vector.shape_cast %mul3A_126 : vector<16xf32> to vector<1x16xf32>
        tpu.vector_store %arg10[%swap3A_127, %swap3A_128], %swap3A_131 {strides = array<i32>} : memref<80x128xf32, #tpu.memory_space<vmem>>, vector<1x16xf32>,
        %get3A_132 = arith.index_cast %add3A_62 : i32 to index
        %get3A_133 = arith.constant 112 : index
        %get3A_134 = tpu.vector_load %arg10[%get3A_132, %get3A_133] {strides = array<i32>} : memref<80x128xf32, #tpu.memory_space<vmem>>, vector<1x16xf32>,
        %get3A_135 = vector.shape_cast %get3A_134 : vector<1x16xf32> to vector<16xf32>
        %mul3A_136 = arith.mulf %get3A_135, %gather3A_58 : vector<16xf32>
        %swap3A_137 = arith.index_cast %add3A_62 : i32 to index
        %swap3A_138 = arith.constant 112 : index
        %swap3A_139 = tpu.vector_load %arg10[%swap3A_137, %swap3A_138] {strides = array<i32>} : memref<80x128xf32, #tpu.memory_space<vmem>>, vector<1x16xf32>,
        %swap3A_140 = vector.shape_cast %swap3A_139 : vector<1x16xf32> to vector<16xf32>
        %swap3A_141 = vector.shape_cast %mul3A_136 : vector<16xf32> to vector<1x16xf32>
        tpu.vector_store %arg10[%swap3A_137, %swap3A_138], %swap3A_141 {strides = array<i32>} : memref<80x128xf32, #tpu.memory_space<vmem>>, vector<1x16xf32>,
        %broadcast_in_dim3A_142 = arith.constant 1 : i32
        %broadcast_in_dim3A_143 = vector.broadcast %broadcast_in_dim3A_142 : i32 to vector<16x1xi32>
        %gather3A_144 = vector.shape_cast %broadcast_in_dim3A_143 : vector<16x1xi32> to vector<16xi32>
        %gather3A_145 = tpu.dynamic_gather %get3A_55[%gather3A_144] in [0] : vector<16xf32>, vector<16xi32> -> vector<16xf32>
        %mul3A_146 = arith.constant 16 : i32
        %mul3A_147 = arith.muli %scan3A_51, %mul3A_146 : i32
        %add3A_148 = arith.constant 1 : i32
        %add3A_149 = arith.addi %mul3A_147, %add3A_148 : i32
        %get3A_150 = arith.index_cast %add3A_149 : i32 to index
        %get3A_151 = arith.constant 0 : index
        %get3A_152 = tpu.vector_load %arg10[%get3A_150, %get3A_151] {strides = array<i32>} : memref<80x128xf32, #tpu.memory_space<vmem>>, vector<1x16xf32>,
        %get3A_153 = vector.shape_cast %get3A_152 : vector<1x16xf32> to vector<16xf32>
        %mul3A_154 = arith.mulf %get3A_153, %gather3A_145 : vector<16xf32>
        %swap3A_155 = arith.index_cast %add3A_149 : i32 to index
        %swap3A_156 = arith.constant 0 : index
        %swap3A_157 = tpu.vector_load %arg10[%swap3A_155, %swap3A_156] {strides = array<i32>} : memref<80x128xf32, #tpu.memory_space<vmem>>, vector<1x16xf32>,
        %swap3A_158 = vector.shape_cast %swap3A_157 : vector<1x16xf32> to vector<16xf32>
        %swap3A_159 = vector.shape_cast %mul3A_154 : vector<16xf32> to vector<1x16xf32>
        tpu.vector_store %arg10[%swap3A_155, %swap3A_156], %swap3A_159 {strides = array<i32>} : memref<80x128xf32, #tpu.memory_space<vmem>>, vector<1x16xf32>,
        %get3A_160 = arith.index_cast %add3A_149 : i32 to index
        %get3A_161 = arith.constant 16 : index
        %get3A_162 = tpu.vector_load %arg10[%get3A_160, %get3A_161] {strides = array<i32>} : memref<80x128xf32, #tpu.memory_space<vmem>>, vector<1x16xf32>,
        %get3A_163 = vector.shape_cast %get3A_162 : vector<1x16xf32> to vector<16xf32>
        %mul3A_164 = arith.mulf %get3A_163, %gather3A_145 : vector<16xf32>
        %swap3A_165 = arith.index_cast %add3A_149 : i32 to index
        %swap3A_166 = arith.constant 16 : index
        %swap3A_167 = tpu.vector_load %arg10[%swap3A_165, %swap3A_166] {strides = array<i32>} : memref<80x128xf32, #tpu.memory_space<vmem>>, vector<1x16xf32>,
        %swap3A_168 = vector.shape_cast %swap3A_167 : vector<1x16xf32> to vector<16xf32>
        %swap3A_169 = vector.shape_cast %mul3A_164 : vector<16xf32> to vector<1x16xf32>
        tpu.vector_store %arg10[%swap3A_165, %swap3A_166], %swap3A_169 {strides = array<i32>} : memref<80x128xf32, #tpu.memory_space<vmem>>, vector<1x16xf32>,
        %get3A_170 = arith.index_cast %add3A_149 : i32 to index
        %get3A_171 = arith.constant 32 : index
        %get3A_172 = tpu.vector_load %arg10[%get3A_170, %get3A_171] {strides = array<i32>} : memref<80x128xf32, #tpu.memory_space<vmem>>, vector<1x16xf32>,
        %get3A_173 = vector.shape_cast %get3A_172 : vector<1x16xf32> to vector<16xf32>
        %mul3A_174 = arith.mulf %get3A_173, %gather3A_145 : vector<16xf32>
        %swap3A_175 = arith.index_cast %add3A_149 : i32 to index
        %swap3A_176 = arith.constant 32 : index
        %swap3A_177 = tpu.vector_load %arg10[%swap3A_175, %swap3A_176] {strides = array<i32>} : memref<80x128xf32, #tpu.memory_space<vmem>>, vector<1x16xf32>,
        %swap3A_178 = vector.shape_cast %swap3A_177 : vector<1x16xf32> to vector<16xf32>
        %swap3A_179 = vector.shape_cast %mul3A_174 : vector<16xf32> to vector<1x16xf32>
        tpu.vector_store %arg10[%swap3A_175, %swap3A_176], %swap3A_179 {strides = array<i32>} : memref<80x128xf32, #tpu.memory_space<vmem>>, vector<1x16xf32>,
        %get3A_180 = arith.index_cast %add3A_149 : i32 to index
        %get3A_181 = arith.constant 48 : index
        %get3A_182 = tpu.vector_load %arg10[%get3A_180, %get3A_181] {strides = array<i32>} : memref<80x128xf32, #tpu.memory_space<vmem>>, vector<1x16xf32>,
        %get3A_183 = vector.shape_cast %get3A_182 : vector<1x16xf32> to vector<16xf32>
        %mul3A_184 = arith.mulf %get3A_183, %gather3A_145 : vector<16xf32>
        %swap3A_185 = arith.index_cast %add3A_149 : i32 to index
        %swap3A_186 = arith.constant 48 : index
        %swap3A_187 = tpu.vector_load %arg10[%swap3A_185, %swap3A_186] {strides = array<i32>} : memref<80x128xf32, #tpu.memory_space<vmem>>, vector<1x16xf32>,
        %swap3A_188 = vector.shape_cast %swap3A_187 : vector<1x16xf32> to vector<16xf32>
        %swap3A_189 = vector.shape_cast %mul3A_184 : vector<16xf32> to vector<1x16xf32>
        tpu.vector_store %arg10[%swap3A_185, %swap3A_186], %swap3A_189 {strides = array<i32>} : memref<80x128xf32, #tpu.memory_space<vmem>>, vector<1x16xf32>,
        %get3A_190 = arith.index_cast %add3A_149 : i32 to index
        %get3A_191 = arith.constant 64 : index
        %get3A_192 = tpu.vector_load %arg10[%get3A_190, %get3A_191] {strides = array<i32>} : memref<80x128xf32, #tpu.memory_space<vmem>>, vector<1x16xf32>,
        %get3A_193 = vector.shape_cast %get3A_192 : vector<1x16xf32> to vector<16xf32>
        %mul3A_194 = arith.mulf %get3A_193, %gather3A_145 : vector<16xf32>
        %swap3A_195 = arith.index_cast %add3A_149 : i32 to index
        %swap3A_196 = arith.constant 64 : index
        %swap3A_197 = tpu.vector_load %arg10[%swap3A_195, %swap3A_196] {strides = array<i32>} : memref<80x128xf32, #tpu.memory_space<vmem>>, vector<1x16xf32>,
        %swap3A_198 = vector.shape_cast %swap3A_197 : vector<1x16xf32> to vector<16xf32>
        %swap3A_199 = vector.shape_cast %mul3A_194 : vector<16xf32> to vector<1x16xf32>
        tpu.vector_store %arg10[%swap3A_195, %swap3A_196], %swap3A_199 {strides = array<i32>} : memref<80x128xf32, #tpu.memory_space<vmem>>, vector<1x16xf32>,
        %get3A_200 = arith.index_cast %add3A_149 : i32 to index
        %get3A_201 = arith.constant 80 : index
        %get3A_202 = tpu.vector_load %arg10[%get3A_200, %get3A_201] {strides = array<i32>} : memref<80x128xf32, #tpu.memory_space<vmem>>, vector<1x16xf32>,
        %get3A_203 = vector.shape_cast %get3A_202 : vector<1x16xf32> to vector<16xf32>
        %mul3A_204 = arith.mulf %get3A_203, %gather3A_145 : vector<16xf32>
        %swap3A_205 = arith.index_cast %add3A_149 : i32 to index
        %swap3A_206 = arith.constant 80 : index
        %swap3A_207 = tpu.vector_load %arg10[%swap3A_205, %swap3A_206] {strides = array<i32>} : memref<80x128xf32, #tpu.memory_space<vmem>>, vector<1x16xf32>,
        %swap3A_208 = vector.shape_cast %swap3A_207 : vector<1x16xf32> to vector<16xf32>
        %swap3A_209 = vector.shape_cast %mul3A_204 : vector<16xf32> to vector<1x16xf32>
        tpu.vector_store %arg10[%swap3A_205, %swap3A_206], %swap3A_209 {strides = array<i32>} : memref<80x128xf32, #tpu.memory_space<vmem>>, vector<1x16xf32>,
        %get3A_210 = arith.index_cast %add3A_149 : i32 to index
        %get3A_211 = arith.constant 96 : index
        %get3A_212 = tpu.vector_load %arg10[%get3A_210, %get3A_211] {strides = array<i32>} : memref<80x128xf32, #tpu.memory_space<vmem>>, vector<1x16xf32>,
        %get3A_213 = vector.shape_cast %get3A_212 : vector<1x16xf32> to vector<16xf32>
        %mul3A_214 = arith.mulf %get3A_213, %gather3A_145 : vector<16xf32>
        %swap3A_215 = arith.index_cast %add3A_149 : i32 to index
        %swap3A_216 = arith.constant 96 : index
        %swap3A_217 = tpu.vector_load %arg10[%swap3A_215, %swap3A_216] {strides = array<i32>} : memref<80x128xf32, #tpu.memory_space<vmem>>, vector<1x16xf32>,
        %swap3A_218 = vector.shape_cast %swap3A_217 : vector<1x16xf32> to vector<16xf32>
        %swap3A_219 = vector.shape_cast %mul3A_214 : vector<16xf32> to vector<1x16xf32>
        tpu.vector_store %arg10[%swap3A_215, %swap3A_216], %swap3A_219 {strides = array<i32>} : memref<80x128xf32, #tpu.memory_space<vmem>>, vector<1x16xf32>,
        %get3A_220 = arith.index_cast %add3A_149 : i32 to index
        %get3A_221 = arith.constant 112 : index
        %get3A_222 = tpu.vector_load %arg10[%get3A_220, %get3A_221] {strides = array<i32>} : memref<80x128xf32, #tpu.memory_space<vmem>>, vector<1x16xf32>,
        %get3A_223 = vector.shape_cast %get3A_222 : vector<1x16xf32> to vector<16xf32>
        %mul3A_224 = arith.mulf %get3A_223, %gather3A_145 : vector<16xf32>
        %swap3A_225 = arith.index_cast %add3A_149 : i32 to index
        %swap3A_226 = arith.constant 112 : index
        %swap3A_227 = tpu.vector_load %arg10[%swap3A_225, %swap3A_226] {strides = array<i32>} : memref<80x128xf32, #tpu.memory_space<vmem>>, vector<1x16xf32>,
        %swap3A_228 = vector.shape_cast %swap3A_227 : vector<1x16xf32> to vector<16xf32>
        %swap3A_229 = vector.shape_cast %mul3A_224 : vector<16xf32> to vector<1x16xf32>
        tpu.vector_store %arg10[%swap3A_225, %swap3A_226], %swap3A_229 {strides = array<i32>} : memref<80x128xf32, #tpu.memory_space<vmem>>, vector<1x16xf32>,
        %broadcast_in_dim3A_230 = arith.constant 2 : i32
        %broadcast_in_dim3A_231 = vector.broadcast %broadcast_in_dim3A_230 : i32 to vector<16x1xi32>
        %gather3A_232 = vector.shape_cast %broadcast_in_dim3A_231 : vector<16x1xi32> to vector<16xi32>
        %gather3A_233 = tpu.dynamic_gather %get3A_55[%gather3A_232] in [0] : vector<16xf32>, vector<16xi32> -> vector<16xf32>
        %mul3A_234 = arith.constant 16 : i32
        %mul3A_235 = arith.muli %scan3A_51, %mul3A_234 : i32
        %add3A_236 = arith.constant 2 : i32
        %add3A_237 = arith.addi %mul3A_235, %add3A_236 : i32
        %get3A_238 = arith.index_cast %add3A_237 : i32 to index
        %get3A_239 = arith.constant 0 : index
        %get3A_240 = tpu.vector_load %arg10[%get3A_238, %get3A_239] {strides = array<i32>} : memref<80x128xf32, #tpu.memory_space<vmem>>, vector<1x16xf32>,
        %get3A_241 = vector.shape_cast %get3A_240 : vector<1x16xf32> to vector<16xf32>
        %mul3A_242 = arith.mulf %get3A_241, %gather3A_233 : vector<16xf32>
        %swap3A_243 = arith.index_cast %add3A_237 : i32 to index
        %swap3A_244 = arith.constant 0 : index
        %swap3A_245 = tpu.vector_load %arg10[%swap3A_243, %swap3A_244] {strides = array<i32>} : memref<80x128xf32, #tpu.memory_space<vmem>>, vector<1x16xf32>,
        %swap3A_246 = vector.shape_cast %swap3A_245 : vector<1x16xf32> to vector<16xf32>
        %swap3A_247 = vector.shape_cast %mul3A_242 : vector<16xf32> to vector<1x16xf32>
        tpu.vector_store %arg10[%swap3A_243, %swap3A_244], %swap3A_247 {strides = array<i32>} : memref<80x128xf32, #tpu.memory_space<vmem>>, vector<1x16xf32>,
        %get3A_248 = arith.index_cast %add3A_237 : i32 to index
        %get3A_249 = arith.constant 16 : index
        %get3A_250 = tpu.vector_load %arg10[%get3A_248, %get3A_249] {strides = array<i32>} : memref<80x128xf32, #tpu.memory_space<vmem>>, vector<1x16xf32>,
        %get3A_251 = vector.shape_cast %get3A_250 : vector<1x16xf32> to vector<16xf32>
        %mul3A_252 = arith.mulf %get3A_251, %gather3A_233 : vector<16xf32>
        %swap3A_253 = arith.index_cast %add3A_237 : i32 to index
        %swap3A_254 = arith.constant 16 : index
        %swap3A_255 = tpu.vector_load %arg10[%swap3A_253, %swap3A_254] {strides = array<i32>} : memref<80x128xf32, #tpu.memory_space<vmem>>, vector<1x16xf32>,
        %swap3A_256 = vector.shape_cast %swap3A_255 : vector<1x16xf32> to vector<16xf32>
        %swap3A_257 = vector.shape_cast %mul3A_252 : vector<16xf32> to vector<1x16xf32>
        tpu.vector_store %arg10[%swap3A_253, %swap3A_254], %swap3A_257 {strides = array<i32>} : memref<80x128xf32, #tpu.memory_space<vmem>>, vector<1x16xf32>,
        %get3A_258 = arith.index_cast %add3A_237 : i32 to index
        %get3A_259 = arith.constant 32 : index
        %get3A_260 = tpu.vector_load %arg10[%get3A_258, %get3A_259] {strides = array<i32>} : memref<80x128xf32, #tpu.memory_space<vmem>>, vector<1x16xf32>,
        %get3A_261 = vector.shape_cast %get3A_260 : vector<1x16xf32> to vector<16xf32>
        %mul3A_262 = arith.mulf %get3A_261, %gather3A_233 : vector<16xf32>
        %swap3A_263 = arith.index_cast %add3A_237 : i32 to index
        %swap3A_264 = arith.constant 32 : index
        %swap3A_265 = tpu.vector_load %arg10[%swap3A_263, %swap3A_264] {strides = array<i32>} : memref<80x128xf32, #tpu.memory_space<vmem>>, vector<1x16xf32>,
        %swap3A_266 = vector.shape_cast %swap3A_265 : vector<1x16xf32> to vector<16xf32>
        %swap3A_267 = vector.shape_cast %mul3A_262 : vector<16xf32> to vector<1x16xf32>
        tpu.vector_store %arg10[%swap3A_263, %swap3A_264], %swap3A_267 {strides = array<i32>} : memref<80x128xf32, #tpu.memory_space<vmem>>, vector<1x16xf32>,
        %get3A_268 = arith.index_cast %add3A_237 : i32 to index
        %get3A_269 = arith.constant 48 : index
        %get3A_270 = tpu.vector_load %arg10[%get3A_268, %get3A_269] {strides = array<i32>} : memref<80x128xf32, #tpu.memory_space<vmem>>, vector<1x16xf32>,
        %get3A_271 = vector.shape_cast %get3A_270 : vector<1x16xf32> to vector<16xf32>
        %mul3A_272 = arith.mulf %get3A_271, %gather3A_233 : vector<16xf32>
        %swap3A_273 = arith.index_cast %add3A_237 : i32 to index
        %swap3A_274 = arith.constant 48 : index
        %swap3A_275 = tpu.vector_load %arg10[%swap3A_273, %swap3A_274] {strides = array<i32>} : memref<80x128xf32, #tpu.memory_space<vmem>>, vector<1x16xf32>,
        %swap3A_276 = vector.shape_cast %swap3A_275 : vector<1x16xf32> to vector<16xf32>
        %swap3A_277 = vector.shape_cast %mul3A_272 : vector<16xf32> to vector<1x16xf32>
        tpu.vector_store %arg10[%swap3A_273, %swap3A_274], %swap3A_277 {strides = array<i32>} : memref<80x128xf32, #tpu.memory_space<vmem>>, vector<1x16xf32>,
        %get3A_278 = arith.index_cast %add3A_237 : i32 to index
        %get3A_279 = arith.constant 64 : index
        %get3A_280 = tpu.vector_load %arg10[%get3A_278, %get3A_279] {strides = array<i32>} : memref<80x128xf32, #tpu.memory_space<vmem>>, vector<1x16xf32>,
        %get3A_281 = vector.shape_cast %get3A_280 : vector<1x16xf32> to vector<16xf32>
        %mul3A_282 = arith.mulf %get3A_281, %gather3A_233 : vector<16xf32>
        %swap3A_283 = arith.index_cast %add3A_237 : i32 to index
        %swap3A_284 = arith.constant 64 : index
        %swap3A_285 = tpu.vector_load %arg10[%swap3A_283, %swap3A_284] {strides = array<i32>} : memref<80x128xf32, #tpu.memory_space<vmem>>, vector<1x16xf32>,
        %swap3A_286 = vector.shape_cast %swap3A_285 : vector<1x16xf32> to vector<16xf32>
        %swap3A_287 = vector.shape_cast %mul3A_282 : vector<16xf32> to vector<1x16xf32>
        tpu.vector_store %arg10[%swap3A_283, %swap3A_284], %swap3A_287 {strides = array<i32>} : memref<80x128xf32, #tpu.memory_space<vmem>>, vector<1x16xf32>,
        %get3A_288 = arith.index_cast %add3A_237 : i32 to index
        %get3A_289 = arith.constant 80 : index
        %get3A_290 = tpu.vector_load %arg10[%get3A_288, %get3A_289] {strides = array<i32>} : memref<80x128xf32, #tpu.memory_space<vmem>>, vector<1x16xf32>,
        %get3A_291 = vector.shape_cast %get3A_290 : vector<1x16xf32> to vector<16xf32>
        %mul3A_292 = arith.mulf %get3A_291, %gather3A_233 : vector<16xf32>
        %swap3A_293 = arith.index_cast %add3A_237 : i32 to index
        %swap3A_294 = arith.constant 80 : index
        %swap3A_295 = tpu.vector_load %arg10[%swap3A_293, %swap3A_294] {strides = array<i32>} : memref<80x128xf32, #tpu.memory_space<vmem>>, vector<1x16xf32>,
        %swap3A_296 = vector.shape_cast %swap3A_295 : vector<1x16xf32> to vector<16xf32>
        %swap3A_297 = vector.shape_cast %mul3A_292 : vector<16xf32> to vector<1x16xf32>
        tpu.vector_store %arg10[%swap3A_293, %swap3A_294], %swap3A_297 {strides = array<i32>} : memref<80x128xf32, #tpu.memory_space<vmem>>, vector<1x16xf32>,
        %get3A_298 = arith.index_cast %add3A_237 : i32 to index
        %get3A_299 = arith.constant 96 : index
        %get3A_300 = tpu.vector_load %arg10[%get3A_298, %get3A_299] {strides = array<i32>} : memref<80x128xf32, #tpu.memory_space<vmem>>, vector<1x16xf32>,
        %get3A_301 = vector.shape_cast %get3A_300 : vector<1x16xf32> to vector<16xf32>
        %mul3A_302 = arith.mulf %get3A_301, %gather3A_233 : vector<16xf32>
        %swap3A_303 = arith.index_cast %add3A_237 : i32 to index
        %swap3A_304 = arith.constant 96 : index
        %swap3A_305 = tpu.vector_load %arg10[%swap3A_303, %swap3A_304] {strides = array<i32>} : memref<80x128xf32, #tpu.memory_space<vmem>>, vector<1x16xf32>,
        %swap3A_306 = vector.shape_cast %swap3A_305 : vector<1x16xf32> to vector<16xf32>
        %swap3A_307 = vector.shape_cast %mul3A_302 : vector<16xf32> to vector<1x16xf32>
        tpu.vector_store %arg10[%swap3A_303, %swap3A_304], %swap3A_307 {strides = array<i32>} : memref<80x128xf32, #tpu.memory_space<vmem>>, vector<1x16xf32>,
        %get3A_308 = arith.index_cast %add3A_237 : i32 to index
        %get3A_309 = arith.constant 112 : index
        %get3A_310 = tpu.vector_load %arg10[%get3A_308, %get3A_309] {strides = array<i32>} : memref<80x128xf32, #tpu.memory_space<vmem>>, vector<1x16xf32>,
        %get3A_311 = vector.shape_cast %get3A_310 : vector<1x16xf32> to vector<16xf32>
        %mul3A_312 = arith.mulf %get3A_311, %gather3A_233 : vector<16xf32>
        %swap3A_313 = arith.index_cast %add3A_237 : i32 to index
        %swap3A_314 = arith.constant 112 : index
        %swap3A_315 = tpu.vector_load %arg10[%swap3A_313, %swap3A_314] {strides = array<i32>} : memref<80x128xf32, #tpu.memory_space<vmem>>, vector<1x16xf32>,
        %swap3A_316 = vector.shape_cast %swap3A_315 : vector<1x16xf32> to vector<16xf32>
        %swap3A_317 = vector.shape_cast %mul3A_312 : vector<16xf32> to vector<1x16xf32>
        tpu.vector_store %arg10[%swap3A_313, %swap3A_314], %swap3A_317 {strides = array<i32>} : memref<80x128xf32, #tpu.memory_space<vmem>>, vector<1x16xf32>,
        %broadcast_in_dim3A_318 = arith.constant 3 : i32
        %broadcast_in_dim3A_319 = vector.broadcast %broadcast_in_dim3A_318 : i32 to vector<16x1xi32>
        %gather3A_320 = vector.shape_cast %broadcast_in_dim3A_319 : vector<16x1xi32> to vector<16xi32>
        %gather3A_321 = tpu.dynamic_gather %get3A_55[%gather3A_320] in [0] : vector<16xf32>, vector<16xi32> -> vector<16xf32>
        %mul3A_322 = arith.constant 16 : i32
        %mul3A_323 = arith.muli %scan3A_51, %mul3A_322 : i32
        %add3A_324 = arith.constant 3 : i32
        %add3A_325 = arith.addi %mul3A_323, %add3A_324 : i32
        %get3A_326 = arith.index_cast %add3A_325 : i32 to index
        %get3A_327 = arith.constant 0 : index
        %get3A_328 = tpu.vector_load %arg10[%get3A_326, %get3A_327] {strides = array<i32>} : memref<80x128xf32, #tpu.memory_space<vmem>>, vector<1x16xf32>,
        %get3A_329 = vector.shape_cast %get3A_328 : vector<1x16xf32> to vector<16xf32>
        %mul3A_330 = arith.mulf %get3A_329, %gather3A_321 : vector<16xf32>
        %swap3A_331 = arith.index_cast %add3A_325 : i32 to index
        %swap3A_332 = arith.constant 0 : index
        %swap3A_333 = tpu.vector_load %arg10[%swap3A_331, %swap3A_332] {strides = array<i32>} : memref<80x128xf32, #tpu.memory_space<vmem>>, vector<1x16xf32>,
        %swap3A_334 = vector.shape_cast %swap3A_333 : vector<1x16xf32> to vector<16xf32>
        %swap3A_335 = vector.shape_cast %mul3A_330 : vector<16xf32> to vector<1x16xf32>
        tpu.vector_store %arg10[%swap3A_331, %swap3A_332], %swap3A_335 {strides = array<i32>} : memref<80x128xf32, #tpu.memory_space<vmem>>, vector<1x16xf32>,
        %get3A_336 = arith.index_cast %add3A_325 : i32 to index
        %get3A_337 = arith.constant 16 : index
        %get3A_338 = tpu.vector_load %arg10[%get3A_336, %get3A_337] {strides = array<i32>} : memref<80x128xf32, #tpu.memory_space<vmem>>, vector<1x16xf32>,
        %get3A_339 = vector.shape_cast %get3A_338 : vector<1x16xf32> to vector<16xf32>
        %mul3A_340 = arith.mulf %get3A_339, %gather3A_321 : vector<16xf32>
        %swap3A_341 = arith.index_cast %add3A_325 : i32 to index
        %swap3A_342 = arith.constant 16 : index
        %swap3A_343 = tpu.vector_load %arg10[%swap3A_341, %swap3A_342] {strides = array<i32>} : memref<80x128xf32, #tpu.memory_space<vmem>>, vector<1x16xf32>,
        %swap3A_344 = vector.shape_cast %swap3A_343 : vector<1x16xf32> to vector<16xf32>
        %swap3A_345 = vector.shape_cast %mul3A_340 : vector<16xf32> to vector<1x16xf32>
        tpu.vector_store %arg10[%swap3A_341, %swap3A_342], %swap3A_345 {strides = array<i32>} : memref<80x128xf32, #tpu.memory_space<vmem>>, vector<1x16xf32>,
        %get3A_346 = arith.index_cast %add3A_325 : i32 to index
        %get3A_347 = arith.constant 32 : index
        %get3A_348 = tpu.vector_load %arg10[%get3A_346, %get3A_347] {strides = array<i32>} : memref<80x128xf32, #tpu.memory_space<vmem>>, vector<1x16xf32>,
        %get3A_349 = vector.shape_cast %get3A_348 : vector<1x16xf32> to vector<16xf32>
        %mul3A_350 = arith.mulf %get3A_349, %gather3A_321 : vector<16xf32>
        %swap3A_351 = arith.index_cast %add3A_325 : i32 to index
        %swap3A_352 = arith.constant 32 : index
        %swap3A_353 = tpu.vector_load %arg10[%swap3A_351, %swap3A_352] {strides = array<i32>} : memref<80x128xf32, #tpu.memory_space<vmem>>, vector<1x16xf32>,
        %swap3A_354 = vector.shape_cast %swap3A_353 : vector<1x16xf32> to vector<16xf32>
        %swap3A_355 = vector.shape_cast %mul3A_350 : vector<16xf32> to vector<1x16xf32>
        tpu.vector_store %arg10[%swap3A_351, %swap3A_352], %swap3A_355 {strides = array<i32>} : memref<80x128xf32, #tpu.memory_space<vmem>>, vector<1x16xf32>,
        %get3A_356 = arith.index_cast %add3A_325 : i32 to index
        %get3A_357 = arith.constant 48 : index
        %get3A_358 = tpu.vector_load %arg10[%get3A_356, %get3A_357] {strides = array<i32>} : memref<80x128xf32, #tpu.memory_space<vmem>>, vector<1x16xf32>,
        %get3A_359 = vector.shape_cast %get3A_358 : vector<1x16xf32> to vector<16xf32>
        %mul3A_360 = arith.mulf %get3A_359, %gather3A_321 : vector<16xf32>
        %swap3A_361 = arith.index_cast %add3A_325 : i32 to index
        %swap3A_362 = arith.constant 48 : index
        %swap3A_363 = tpu.vector_load %arg10[%swap3A_361, %swap3A_362] {strides = array<i32>} : memref<80x128xf32, #tpu.memory_space<vmem>>, vector<1x16xf32>,
        %swap3A_364 = vector.shape_cast %swap3A_363 : vector<1x16xf32> to vector<16xf32>
        %swap3A_365 = vector.shape_cast %mul3A_360 : vector<16xf32> to vector<1x16xf32>
        tpu.vector_store %arg10[%swap3A_361, %swap3A_362], %swap3A_365 {strides = array<i32>} : memref<80x128xf32, #tpu.memory_space<vmem>>, vector<1x16xf32>,
        %get3A_366 = arith.index_cast %add3A_325 : i32 to index
        %get3A_367 = arith.constant 64 : index
        %get3A_368 = tpu.vector_load %arg10[%get3A_366, %get3A_367] {strides = array<i32>} : memref<80x128xf32, #tpu.memory_space<vmem>>, vector<1x16xf32>,
        %get3A_369 = vector.shape_cast %get3A_368 : vector<1x16xf32> to vector<16xf32>
        %mul3A_370 = arith.mulf %get3A_369, %gather3A_321 : vector<16xf32>
        %swap3A_371 = arith.index_cast %add3A_325 : i32 to index
        %swap3A_372 = arith.constant 64 : index
        %swap3A_373 = tpu.vector_load %arg10[%swap3A_371, %swap3A_372] {strides = array<i32>} : memref<80x128xf32, #tpu.memory_space<vmem>>, vector<1x16xf32>,
        %swap3A_374 = vector.shape_cast %swap3A_373 : vector<1x16xf32> to vector<16xf32>
        %swap3A_375 = vector.shape_cast %mul3A_370 : vector<16xf32> to vector<1x16xf32>
        tpu.vector_store %arg10[%swap3A_371, %swap3A_372], %swap3A_375 {strides = array<i32>} : memref<80x128xf32, #tpu.memory_space<vmem>>, vector<1x16xf32>,
        %get3A_376 = arith.index_cast %add3A_325 : i32 to index
        %get3A_377 = arith.constant 80 : index
        %get3A_378 = tpu.vector_load %arg10[%get3A_376, %get3A_377] {strides = array<i32>} : memref<80x128xf32, #tpu.memory_space<vmem>>, vector<1x16xf32>,
        %get3A_379 = vector.shape_cast %get3A_378 : vector<1x16xf32> to vector<16xf32>
        %mul3A_380 = arith.mulf %get3A_379, %gather3A_321 : vector<16xf32>
        %swap3A_381 = arith.index_cast %add3A_325 : i32 to index
        %swap3A_382 = arith.constant 80 : index
        %swap3A_383 = tpu.vector_load %arg10[%swap3A_381, %swap3A_382] {strides = array<i32>} : memref<80x128xf32, #tpu.memory_space<vmem>>, vector<1x16xf32>,
        %swap3A_384 = vector.shape_cast %swap3A_383 : vector<1x16xf32> to vector<16xf32>
        %swap3A_385 = vector.shape_cast %mul3A_380 : vector<16xf32> to vector<1x16xf32>
        tpu.vector_store %arg10[%swap3A_381, %swap3A_382], %swap3A_385 {strides = array<i32>} : memref<80x128xf32, #tpu.memory_space<vmem>>, vector<1x16xf32>,
        %get3A_386 = arith.index_cast %add3A_325 : i32 to index
        %get3A_387 = arith.constant 96 : index
        %get3A_388 = tpu.vector_load %arg10[%get3A_386, %get3A_387] {strides = array<i32>} : memref<80x128xf32, #tpu.memory_space<vmem>>, vector<1x16xf32>,
        %get3A_389 = vector.shape_cast %get3A_388 : vector<1x16xf32> to vector<16xf32>
        %mul3A_390 = arith.mulf %get3A_389, %gather3A_321 : vector<16xf32>
        %swap3A_391 = arith.index_cast %add3A_325 : i32 to index
        %swap3A_392 = arith.constant 96 : index
        %swap3A_393 = tpu.vector_load %arg10[%swap3A_391, %swap3A_392] {strides = array<i32>} : memref<80x128xf32, #tpu.memory_space<vmem>>, vector<1x16xf32>,
        %swap3A_394 = vector.shape_cast %swap3A_393 : vector<1x16xf32> to vector<16xf32>
        %swap3A_395 = vector.shape_cast %mul3A_390 : vector<16xf32> to vector<1x16xf32>
        tpu.vector_store %arg10[%swap3A_391, %swap3A_392], %swap3A_395 {strides = array<i32>} : memref<80x128xf32, #tpu.memory_space<vmem>>, vector<1x16xf32>,
        %get3A_396 = arith.index_cast %add3A_325 : i32 to index
        %get3A_397 = arith.constant 112 : index
        %get3A_398 = tpu.vector_load %arg10[%get3A_396, %get3A_397] {strides = array<i32>} : memref<80x128xf32, #tpu.memory_space<vmem>>, vector<1x16xf32>,
        %get3A_399 = vector.shape_cast %get3A_398 : vector<1x16xf32> to vector<16xf32>
        %mul3A_400 = arith.mulf %get3A_399, %gather3A_321 : vector<16xf32>
        %swap3A_401 = arith.index_cast %add3A_325 : i32 to index
        %swap3A_402 = arith.constant 112 : index
        %swap3A_403 = tpu.vector_load %arg10[%swap3A_401, %swap3A_402] {strides = array<i32>} : memref<80x128xf32, #tpu.memory_space<vmem>>, vector<1x16xf32>,
        %swap3A_404 = vector.shape_cast %swap3A_403 : vector<1x16xf32> to vector<16xf32>
        %swap3A_405 = vector.shape_cast %mul3A_400 : vector<16xf32> to vector<1x16xf32>
        tpu.vector_store %arg10[%swap3A_401, %swap3A_402], %swap3A_405 {strides = array<i32>} : memref<80x128xf32, #tpu.memory_space<vmem>>, vector<1x16xf32>,
        %broadcast_in_dim3A_406 = arith.constant 4 : i32
        %broadcast_in_dim3A_407 = vector.broadcast %broadcast_in_dim3A_406 : i32 to vector<16x1xi32>
        %gather3A_408 = vector.shape_cast %broadcast_in_dim3A_407 : vector<16x1xi32> to vector<16xi32>
        %gather3A_409 = tpu.dynamic_gather %get3A_55[%gather3A_408] in [0] : vector<16xf32>, vector<16xi32> -> vector<16xf32>
        %mul3A_410 = arith.constant 16 : i32
        %mul3A_411 = arith.muli %scan3A_51, %mul3A_410 : i32
        %add3A_412 = arith.constant 4 : i32
        %add3A_413 = arith.addi %mul3A_411, %add3A_412 : i32
        %get3A_414 = arith.index_cast %add3A_413 : i32 to index
        %get3A_415 = arith.constant 0 : index
        %get3A_416 = tpu.vector_load %arg10[%get3A_414, %get3A_415] {strides = array<i32>} : memref<80x128xf32, #tpu.memory_space<vmem>>, vector<1x16xf32>,
        %get3A_417 = vector.shape_cast %get3A_416 : vector<1x16xf32> to vector<16xf32>
        %mul3A_418 = arith.mulf %get3A_417, %gather3A_409 : vector<16xf32>
        %swap3A_419 = arith.index_cast %add3A_413 : i32 to index
        %swap3A_420 = arith.constant 0 : index
        %swap3A_421 = tpu.vector_load %arg10[%swap3A_419, %swap3A_420] {strides = array<i32>} : memref<80x128xf32, #tpu.memory_space<vmem>>, vector<1x16xf32>,
        %swap3A_422 = vector.shape_cast %swap3A_421 : vector<1x16xf32> to vector<16xf32>
        %swap3A_423 = vector.shape_cast %mul3A_418 : vector<16xf32> to vector<1x16xf32>
        tpu.vector_store %arg10[%swap3A_419, %swap3A_420], %swap3A_423 {strides = array<i32>} : memref<80x128xf32, #tpu.memory_space<vmem>>, vector<1x16xf32>,
        %get3A_424 = arith.index_cast %add3A_413 : i32 to index
        %get3A_425 = arith.constant 16 : index
        %get3A_426 = tpu.vector_load %arg10[%get3A_424, %get3A_425] {strides = array<i32>} : memref<80x128xf32, #tpu.memory_space<vmem>>, vector<1x16xf32>,
        %get3A_427 = vector.shape_cast %get3A_426 : vector<1x16xf32> to vector<16xf32>
        %mul3A_428 = arith.mulf %get3A_427, %gather3A_409 : vector<16xf32>
        %swap3A_429 = arith.index_cast %add3A_413 : i32 to index
        %swap3A_430 = arith.constant 16 : index
        %swap3A_431 = tpu.vector_load %arg10[%swap3A_429, %swap3A_430] {strides = array<i32>} : memref<80x128xf32, #tpu.memory_space<vmem>>, vector<1x16xf32>,
        %swap3A_432 = vector.shape_cast %swap3A_431 : vector<1x16xf32> to vector<16xf32>
        %swap3A_433 = vector.shape_cast %mul3A_428 : vector<16xf32> to vector<1x16xf32>
        tpu.vector_store %arg10[%swap3A_429, %swap3A_430], %swap3A_433 {strides = array<i32>} : memref<80x128xf32, #tpu.memory_space<vmem>>, vector<1x16xf32>,
        %get3A_434 = arith.index_cast %add3A_413 : i32 to index
        %get3A_435 = arith.constant 32 : index
        %get3A_436 = tpu.vector_load %arg10[%get3A_434, %get3A_435] {strides = array<i32>} : memref<80x128xf32, #tpu.memory_space<vmem>>, vector<1x16xf32>,
        %get3A_437 = vector.shape_cast %get3A_436 : vector<1x16xf32> to vector<16xf32>
        %mul3A_438 = arith.mulf %get3A_437, %gather3A_409 : vector<16xf32>
        %swap3A_439 = arith.index_cast %add3A_413 : i32 to index
        %swap3A_440 = arith.constant 32 : index
        %swap3A_441 = tpu.vector_load %arg10[%swap3A_439, %swap3A_440] {strides = array<i32>} : memref<80x128xf32, #tpu.memory_space<vmem>>, vector<1x16xf32>,
        %swap3A_442 = vector.shape_cast %swap3A_441 : vector<1x16xf32> to vector<16xf32>
        %swap3A_443 = vector.shape_cast %mul3A_438 : vector<16xf32> to vector<1x16xf32>
        tpu.vector_store %arg10[%swap3A_439, %swap3A_440], %swap3A_443 {strides = array<i32>} : memref<80x128xf32, #tpu.memory_space<vmem>>, vector<1x16xf32>,
        %get3A_444 = arith.index_cast %add3A_413 : i32 to index
        %get3A_445 = arith.constant 48 : index
        %get3A_446 = tpu.vector_load %arg10[%get3A_444, %get3A_445] {strides = array<i32>} : memref<80x128xf32, #tpu.memory_space<vmem>>, vector<1x16xf32>,
        %get3A_447 = vector.shape_cast %get3A_446 : vector<1x16xf32> to vector<16xf32>
        %mul3A_448 = arith.mulf %get3A_447, %gather3A_409 : vector<16xf32>
        %swap3A_449 = arith.index_cast %add3A_413 : i32 to index
        %swap3A_450 = arith.constant 48 : index
        %swap3A_451 = tpu.vector_load %arg10[%swap3A_449, %swap3A_450] {strides = array<i32>} : memref<80x128xf32, #tpu.memory_space<vmem>>, vector<1x16xf32>,
        %swap3A_452 = vector.shape_cast %swap3A_451 : vector<1x16xf32> to vector<16xf32>
        %swap3A_453 = vector.shape_cast %mul3A_448 : vector<16xf32> to vector<1x16xf32>
        tpu.vector_store %arg10[%swap3A_449, %swap3A_450], %swap3A_453 {strides = array<i32>} : memref<80x128xf32, #tpu.memory_space<vmem>>, vector<1x16xf32>,
        %get3A_454 = arith.index_cast %add3A_413 : i32 to index
        %get3A_455 = arith.constant 64 : index
        %get3A_456 = tpu.vector_load %arg10[%get3A_454, %get3A_455] {strides = array<i32>} : memref<80x128xf32, #tpu.memory_space<vmem>>, vector<1x16xf32>,
        %get3A_457 = vector.shape_cast %get3A_456 : vector<1x16xf32> to vector<16xf32>
        %mul3A_458 = arith.mulf %get3A_457, %gather3A_409 : vector<16xf32>
        %swap3A_459 = arith.index_cast %add3A_413 : i32 to index
        %swap3A_460 = arith.constant 64 : index
        %swap3A_461 = tpu.vector_load %arg10[%swap3A_459, %swap3A_460] {strides = array<i32>} : memref<80x128xf32, #tpu.memory_space<vmem>>, vector<1x16xf32>,
        %swap3A_462 = vector.shape_cast %swap3A_461 : vector<1x16xf32> to vector<16xf32>
        %swap3A_463 = vector.shape_cast %mul3A_458 : vector<16xf32> to vector<1x16xf32>
        tpu.vector_store %arg10[%swap3A_459, %swap3A_460], %swap3A_463 {strides = array<i32>} : memref<80x128xf32, #tpu.memory_space<vmem>>, vector<1x16xf32>,
        %get3A_464 = arith.index_cast %add3A_413 : i32 to index
        %get3A_465 = arith.constant 80 : index
        %get3A_466 = tpu.vector_load %arg10[%get3A_464, %get3A_465] {strides = array<i32>} : memref<80x128xf32, #tpu.memory_space<vmem>>, vector<1x16xf32>,
        %get3A_467 = vector.shape_cast %get3A_466 : vector<1x16xf32> to vector<16xf32>
        %mul3A_468 = arith.mulf %get3A_467, %gather3A_409 : vector<16xf32>
        %swap3A_469 = arith.index_cast %add3A_413 : i32 to index
        %swap3A_470 = arith.constant 80 : index
        %swap3A_471 = tpu.vector_load %arg10[%swap3A_469, %swap3A_470] {strides = array<i32>} : memref<80x128xf32, #tpu.memory_space<vmem>>, vector<1x16xf32>,
        %swap3A_472 = vector.shape_cast %swap3A_471 : vector<1x16xf32> to vector<16xf32>
        %swap3A_473 = vector.shape_cast %mul3A_468 : vector<16xf32> to vector<1x16xf32>
        tpu.vector_store %arg10[%swap3A_469, %swap3A_470], %swap3A_473 {strides = array<i32>} : memref<80x128xf32, #tpu.memory_space<vmem>>, vector<1x16xf32>,
        %get3A_474 = arith.index_cast %add3A_413 : i32 to index
        %get3A_475 = arith.constant 96 : index
        %get3A_476 = tpu.vector_load %arg10[%get3A_474, %get3A_475] {strides = array<i32>} : memref<80x128xf32, #tpu.memory_space<vmem>>, vector<1x16xf32>,
        %get3A_477 = vector.shape_cast %get3A_476 : vector<1x16xf32> to vector<16xf32>
        %mul3A_478 = arith.mulf %get3A_477, %gather3A_409 : vector<16xf32>
        %swap3A_479 = arith.index_cast %add3A_413 : i32 to index
        %swap3A_480 = arith.constant 96 : index
        %swap3A_481 = tpu.vector_load %arg10[%swap3A_479, %swap3A_480] {strides = array<i32>} : memref<80x128xf32, #tpu.memory_space<vmem>>, vector<1x16xf32>,
        %swap3A_482 = vector.shape_cast %swap3A_481 : vector<1x16xf32> to vector<16xf32>
        %swap3A_483 = vector.shape_cast %mul3A_478 : vector<16xf32> to vector<1x16xf32>
        tpu.vector_store %arg10[%swap3A_479, %swap3A_480], %swap3A_483 {strides = array<i32>} : memref<80x128xf32, #tpu.memory_space<vmem>>, vector<1x16xf32>,
        %get3A_484 = arith.index_cast %add3A_413 : i32 to index
        %get3A_485 = arith.constant 112 : index
        %get3A_486 = tpu.vector_load %arg10[%get3A_484, %get3A_485] {strides = array<i32>} : memref<80x128xf32, #tpu.memory_space<vmem>>, vector<1x16xf32>,
        %get3A_487 = vector.shape_cast %get3A_486 : vector<1x16xf32> to vector<16xf32>
        %mul3A_488 = arith.mulf %get3A_487, %gather3A_409 : vector<16xf32>
        %swap3A_489 = arith.index_cast %add3A_413 : i32 to index
        %swap3A_490 = arith.constant 112 : index
        %swap3A_491 = tpu.vector_load %arg10[%swap3A_489, %swap3A_490] {strides = array<i32>} : memref<80x128xf32, #tpu.memory_space<vmem>>, vector<1x16xf32>,
        %swap3A_492 = vector.shape_cast %swap3A_491 : vector<1x16xf32> to vector<16xf32>
        %swap3A_493 = vector.shape_cast %mul3A_488 : vector<16xf32> to vector<1x16xf32>
        tpu.vector_store %arg10[%swap3A_489, %swap3A_490], %swap3A_493 {strides = array<i32>} : memref<80x128xf32, #tpu.memory_space<vmem>>, vector<1x16xf32>,
        %broadcast_in_dim3A_494 = arith.constant 5 : i32
        %broadcast_in_dim3A_495 = vector.broadcast %broadcast_in_dim3A_494 : i32 to vector<16x1xi32>
        %gather3A_496 = vector.shape_cast %broadcast_in_dim3A_495 : vector<16x1xi32> to vector<16xi32>
        %gather3A_497 = tpu.dynamic_gather %get3A_55[%gather3A_496] in [0] : vector<16xf32>, vector<16xi32> -> vector<16xf32>
        %mul3A_498 = arith.constant 16 : i32
        %mul3A_499 = arith.muli %scan3A_51, %mul3A_498 : i32
        %add3A_500 = arith.constant 5 : i32
        %add3A_501 = arith.addi %mul3A_499, %add3A_500 : i32
        %get3A_502 = arith.index_cast %add3A_501 : i32 to index
        %get3A_503 = arith.constant 0 : index
        %get3A_504 = tpu.vector_load %arg10[%get3A_502, %get3A_503] {strides = array<i32>} : memref<80x128xf32, #tpu.memory_space<vmem>>, vector<1x16xf32>,
        %get3A_505 = vector.shape_cast %get3A_504 : vector<1x16xf32> to vector<16xf32>
        %mul3A_506 = arith.mulf %get3A_505, %gather3A_497 : vector<16xf32>
        %swap3A_507 = arith.index_cast %add3A_501 : i32 to index
        %swap3A_508 = arith.constant 0 : index
        %swap3A_509 = tpu.vector_load %arg10[%swap3A_507, %swap3A_508] {strides = array<i32>} : memref<80x128xf32, #tpu.memory_space<vmem>>, vector<1x16xf32>,
        %swap3A_510 = vector.shape_cast %swap3A_509 : vector<1x16xf32> to vector<16xf32>
        %swap3A_511 = vector.shape_cast %mul3A_506 : vector<16xf32> to vector<1x16xf32>
        tpu.vector_store %arg10[%swap3A_507, %swap3A_508], %swap3A_511 {strides = array<i32>} : memref<80x128xf32, #tpu.memory_space<vmem>>, vector<1x16xf32>,
        %get3A_512 = arith.index_cast %add3A_501 : i32 to index
        %get3A_513 = arith.constant 16 : index
        %get3A_514 = tpu.vector_load %arg10[%get3A_512, %get3A_513] {strides = array<i32>} : memref<80x128xf32, #tpu.memory_space<vmem>>, vector<1x16xf32>,
        %get3A_515 = vector.shape_cast %get3A_514 : vector<1x16xf32> to vector<16xf32>
        %mul3A_516 = arith.mulf %get3A_515, %gather3A_497 : vector<16xf32>
        %swap3A_517 = arith.index_cast %add3A_501 : i32 to index
        %swap3A_518 = arith.constant 16 : index
        %swap3A_519 = tpu.vector_load %arg10[%swap3A_517, %swap3A_518] {strides = array<i32>} : memref<80x128xf32, #tpu.memory_space<vmem>>, vector<1x16xf32>,
        %swap3A_520 = vector.shape_cast %swap3A_519 : vector<1x16xf32> to vector<16xf32>
        %swap3A_521 = vector.shape_cast %mul3A_516 : vector<16xf32> to vector<1x16xf32>
        tpu.vector_store %arg10[%swap3A_517, %swap3A_518], %swap3A_521 {strides = array<i32>} : memref<80x128xf32, #tpu.memory_space<vmem>>, vector<1x16xf32>,
        %get3A_522 = arith.index_cast %add3A_501 : i32 to index
        %get3A_523 = arith.constant 32 : index
        %get3A_524 = tpu.vector_load %arg10[%get3A_522, %get3A_523] {strides = array<i32>} : memref<80x128xf32, #tpu.memory_space<vmem>>, vector<1x16xf32>,
        %get3A_525 = vector.shape_cast %get3A_524 : vector<1x16xf32> to vector<16xf32>
        %mul3A_526 = arith.mulf %get3A_525, %gather3A_497 : vector<16xf32>
        %swap3A_527 = arith.index_cast %add3A_501 : i32 to index
        %swap3A_528 = arith.constant 32 : index
        %swap3A_529 = tpu.vector_load %arg10[%swap3A_527, %swap3A_528] {strides = array<i32>} : memref<80x128xf32, #tpu.memory_space<vmem>>, vector<1x16xf32>,
        %swap3A_530 = vector.shape_cast %swap3A_529 : vector<1x16xf32> to vector<16xf32>
        %swap3A_531 = vector.shape_cast %mul3A_526 : vector<16xf32> to vector<1x16xf32>
        tpu.vector_store %arg10[%swap3A_527, %swap3A_528], %swap3A_531 {strides = array<i32>} : memref<80x128xf32, #tpu.memory_space<vmem>>, vector<1x16xf32>,
        %get3A_532 = arith.index_cast %add3A_501 : i32 to index
        %get3A_533 = arith.constant 48 : index
        %get3A_534 = tpu.vector_load %arg10[%get3A_532, %get3A_533] {strides = array<i32>} : memref<80x128xf32, #tpu.memory_space<vmem>>, vector<1x16xf32>,
        %get3A_535 = vector.shape_cast %get3A_534 : vector<1x16xf32> to vector<16xf32>
        %mul3A_536 = arith.mulf %get3A_535, %gather3A_497 : vector<16xf32>
        %swap3A_537 = arith.index_cast %add3A_501 : i32 to index
        %swap3A_538 = arith.constant 48 : index
        %swap3A_539 = tpu.vector_load %arg10[%swap3A_537, %swap3A_538] {strides = array<i32>} : memref<80x128xf32, #tpu.memory_space<vmem>>, vector<1x16xf32>,
        %swap3A_540 = vector.shape_cast %swap3A_539 : vector<1x16xf32> to vector<16xf32>
        %swap3A_541 = vector.shape_cast %mul3A_536 : vector<16xf32> to vector<1x16xf32>
        tpu.vector_store %arg10[%swap3A_537, %swap3A_538], %swap3A_541 {strides = array<i32>} : memref<80x128xf32, #tpu.memory_space<vmem>>, vector<1x16xf32>,
        %get3A_542 = arith.index_cast %add3A_501 : i32 to index
        %get3A_543 = arith.constant 64 : index
        %get3A_544 = tpu.vector_load %arg10[%get3A_542, %get3A_543] {strides = array<i32>} : memref<80x128xf32, #tpu.memory_space<vmem>>, vector<1x16xf32>,
        %get3A_545 = vector.shape_cast %get3A_544 : vector<1x16xf32> to vector<16xf32>
        %mul3A_546 = arith.mulf %get3A_545, %gather3A_497 : vector<16xf32>
        %swap3A_547 = arith.index_cast %add3A_501 : i32 to index
        %swap3A_548 = arith.constant 64 : index
        %swap3A_549 = tpu.vector_load %arg10[%swap3A_547, %swap3A_548] {strides = array<i32>} : memref<80x128xf32, #tpu.memory_space<vmem>>, vector<1x16xf32>,
        %swap3A_550 = vector.shape_cast %swap3A_549 : vector<1x16xf32> to vector<16xf32>
        %swap3A_551 = vector.shape_cast %mul3A_546 : vector<16xf32> to vector<1x16xf32>
        tpu.vector_store %arg10[%swap3A_547, %swap3A_548], %swap3A_551 {strides = array<i32>} : memref<80x128xf32, #tpu.memory_space<vmem>>, vector<1x16xf32>,
        %get3A_552 = arith.index_cast %add3A_501 : i32 to index
        %get3A_553 = arith.constant 80 : index
        %get3A_554 = tpu.vector_load %arg10[%get3A_552, %get3A_553] {strides = array<i32>} : memref<80x128xf32, #tpu.memory_space<vmem>>, vector<1x16xf32>,
        %get3A_555 = vector.shape_cast %get3A_554 : vector<1x16xf32> to vector<16xf32>
        %mul3A_556 = arith.mulf %get3A_555, %gather3A_497 : vector<16xf32>
        %swap3A_557 = arith.index_cast %add3A_501 : i32 to index
        %swap3A_558 = arith.constant 80 : index
        %swap3A_559 = tpu.vector_load %arg10[%swap3A_557, %swap3A_558] {strides = array<i32>} : memref<80x128xf32, #tpu.memory_space<vmem>>, vector<1x16xf32>,
        %swap3A_560 = vector.shape_cast %swap3A_559 : vector<1x16xf32> to vector<16xf32>
        %swap3A_561 = vector.shape_cast %mul3A_556 : vector<16xf32> to vector<1x16xf32>
        tpu.vector_store %arg10[%swap3A_557, %swap3A_558], %swap3A_561 {strides = array<i32>} : memref<80x128xf32, #tpu.memory_space<vmem>>, vector<1x16xf32>,
        %get3A_562 = arith.index_cast %add3A_501 : i32 to index
        %get3A_563 = arith.constant 96 : index
        %get3A_564 = tpu.vector_load %arg10[%get3A_562, %get3A_563] {strides = array<i32>} : memref<80x128xf32, #tpu.memory_space<vmem>>, vector<1x16xf32>,
        %get3A_565 = vector.shape_cast %get3A_564 : vector<1x16xf32> to vector<16xf32>
        %mul3A_566 = arith.mulf %get3A_565, %gather3A_497 : vector<16xf32>
        %swap3A_567 = arith.index_cast %add3A_501 : i32 to index
        %swap3A_568 = arith.constant 96 : index
        %swap3A_569 = tpu.vector_load %arg10[%swap3A_567, %swap3A_568] {strides = array<i32>} : memref<80x128xf32, #tpu.memory_space<vmem>>, vector<1x16xf32>,
        %swap3A_570 = vector.shape_cast %swap3A_569 : vector<1x16xf32> to vector<16xf32>
        %swap3A_571 = vector.shape_cast %mul3A_566 : vector<16xf32> to vector<1x16xf32>
        tpu.vector_store %arg10[%swap3A_567, %swap3A_568], %swap3A_571 {strides = array<i32>} : memref<80x128xf32, #tpu.memory_space<vmem>>, vector<1x16xf32>,
        %get3A_572 = arith.index_cast %add3A_501 : i32 to index
        %get3A_573 = arith.constant 112 : index
        %get3A_574 = tpu.vector_load %arg10[%get3A_572, %get3A_573] {strides = array<i32>} : memref<80x128xf32, #tpu.memory_space<vmem>>, vector<1x16xf32>,
        %get3A_575 = vector.shape_cast %get3A_574 : vector<1x16xf32> to vector<16xf32>
        %mul3A_576 = arith.mulf %get3A_575, %gather3A_497 : vector<16xf32>
        %swap3A_577 = arith.index_cast %add3A_501 : i32 to index
        %swap3A_578 = arith.constant 112 : index
        %swap3A_579 = tpu.vector_load %arg10[%swap3A_577, %swap3A_578] {strides = array<i32>} : memref<80x128xf32, #tpu.memory_space<vmem>>, vector<1x16xf32>,
        %swap3A_580 = vector.shape_cast %swap3A_579 : vector<1x16xf32> to vector<16xf32>
        %swap3A_581 = vector.shape_cast %mul3A_576 : vector<16xf32> to vector<1x16xf32>
        tpu.vector_store %arg10[%swap3A_577, %swap3A_578], %swap3A_581 {strides = array<i32>} : memref<80x128xf32, #tpu.memory_space<vmem>>, vector<1x16xf32>,
        %broadcast_in_dim3A_582 = arith.constant 6 : i32
        %broadcast_in_dim3A_583 = vector.broadcast %broadcast_in_dim3A_582 : i32 to vector<16x1xi32>
        %gather3A_584 = vector.shape_cast %broadcast_in_dim3A_583 : vector<16x1xi32> to vector<16xi32>
        %gather3A_585 = tpu.dynamic_gather %get3A_55[%gather3A_584] in [0] : vector<16xf32>, vector<16xi32> -> vector<16xf32>
        %mul3A_586 = arith.constant 16 : i32
        %mul3A_587 = arith.muli %scan3A_51, %mul3A_586 : i32
        %add3A_588 = arith.constant 6 : i32
        %add3A_589 = arith.addi %mul3A_587, %add3A_588 : i32
        %get3A_590 = arith.index_cast %add3A_589 : i32 to index
        %get3A_591 = arith.constant 0 : index
        %get3A_592 = tpu.vector_load %arg10[%get3A_590, %get3A_591] {strides = array<i32>} : memref<80x128xf32, #tpu.memory_space<vmem>>, vector<1x16xf32>,
        %get3A_593 = vector.shape_cast %get3A_592 : vector<1x16xf32> to vector<16xf32>
        %mul3A_594 = arith.mulf %get3A_593, %gather3A_585 : vector<16xf32>
        %swap3A_595 = arith.index_cast %add3A_589 : i32 to index
        %swap3A_596 = arith.constant 0 : index
        %swap3A_597 = tpu.vector_load %arg10[%swap3A_595, %swap3A_596] {strides = array<i32>} : memref<80x128xf32, #tpu.memory_space<vmem>>, vector<1x16xf32>,
        %swap3A_598 = vector.shape_cast %swap3A_597 : vector<1x16xf32> to vector<16xf32>
        %swap3A_599 = vector.shape_cast %mul3A_594 : vector<16xf32> to vector<1x16xf32>
        tpu.vector_store %arg10[%swap3A_595, %swap3A_596], %swap3A_599 {strides = array<i32>} : memref<80x128xf32, #tpu.memory_space<vmem>>, vector<1x16xf32>,
        %get3A_600 = arith.index_cast %add3A_589 : i32 to index
        %get3A_601 = arith.constant 16 : index
        %get3A_602 = tpu.vector_load %arg10[%get3A_600, %get3A_601] {strides = array<i32>} : memref<80x128xf32, #tpu.memory_space<vmem>>, vector<1x16xf32>,
        %get3A_603 = vector.shape_cast %get3A_602 : vector<1x16xf32> to vector<16xf32>
        %mul3A_604 = arith.mulf %get3A_603, %gather3A_585 : vector<16xf32>
        %swap3A_605 = arith.index_cast %add3A_589 : i32 to index
        %swap3A_606 = arith.constant 16 : index
        %swap3A_607 = tpu.vector_load %arg10[%swap3A_605, %swap3A_606] {strides = array<i32>} : memref<80x128xf32, #tpu.memory_space<vmem>>, vector<1x16xf32>,
        %swap3A_608 = vector.shape_cast %swap3A_607 : vector<1x16xf32> to vector<16xf32>
        %swap3A_609 = vector.shape_cast %mul3A_604 : vector<16xf32> to vector<1x16xf32>
        tpu.vector_store %arg10[%swap3A_605, %swap3A_606], %swap3A_609 {strides = array<i32>} : memref<80x128xf32, #tpu.memory_space<vmem>>, vector<1x16xf32>,
        %get3A_610 = arith.index_cast %add3A_589 : i32 to index
        %get3A_611 = arith.constant 32 : index
        %get3A_612 = tpu.vector_load %arg10[%get3A_610, %get3A_611] {strides = array<i32>} : memref<80x128xf32, #tpu.memory_space<vmem>>, vector<1x16xf32>,
        %get3A_613 = vector.shape_cast %get3A_612 : vector<1x16xf32> to vector<16xf32>
        %mul3A_614 = arith.mulf %get3A_613, %gather3A_585 : vector<16xf32>
        %swap3A_615 = arith.index_cast %add3A_589 : i32 to index
        %swap3A_616 = arith.constant 32 : index
        %swap3A_617 = tpu.vector_load %arg10[%swap3A_615, %swap3A_616] {strides = array<i32>} : memref<80x128xf32, #tpu.memory_space<vmem>>, vector<1x16xf32>,
        %swap3A_618 = vector.shape_cast %swap3A_617 : vector<1x16xf32> to vector<16xf32>
        %swap3A_619 = vector.shape_cast %mul3A_614 : vector<16xf32> to vector<1x16xf32>
        tpu.vector_store %arg10[%swap3A_615, %swap3A_616], %swap3A_619 {strides = array<i32>} : memref<80x128xf32, #tpu.memory_space<vmem>>, vector<1x16xf32>,
        %get3A_620 = arith.index_cast %add3A_589 : i32 to index
        %get3A_621 = arith.constant 48 : index
        %get3A_622 = tpu.vector_load %arg10[%get3A_620, %get3A_621] {strides = array<i32>} : memref<80x128xf32, #tpu.memory_space<vmem>>, vector<1x16xf32>,
        %get3A_623 = vector.shape_cast %get3A_622 : vector<1x16xf32> to vector<16xf32>
        %mul3A_624 = arith.mulf %get3A_623, %gather3A_585 : vector<16xf32>
        %swap3A_625 = arith.index_cast %add3A_589 : i32 to index
        %swap3A_626 = arith.constant 48 : index
        %swap3A_627 = tpu.vector_load %arg10[%swap3A_625, %swap3A_626] {strides = array<i32>} : memref<80x128xf32, #tpu.memory_space<vmem>>, vector<1x16xf32>,
        %swap3A_628 = vector.shape_cast %swap3A_627 : vector<1x16xf32> to vector<16xf32>
        %swap3A_629 = vector.shape_cast %mul3A_624 : vector<16xf32> to vector<1x16xf32>
        tpu.vector_store %arg10[%swap3A_625, %swap3A_626], %swap3A_629 {strides = array<i32>} : memref<80x128xf32, #tpu.memory_space<vmem>>, vector<1x16xf32>,
        %get3A_630 = arith.index_cast %add3A_589 : i32 to index
        %get3A_631 = arith.constant 64 : index
        %get3A_632 = tpu.vector_load %arg10[%get3A_630, %get3A_631] {strides = array<i32>} : memref<80x128xf32, #tpu.memory_space<vmem>>, vector<1x16xf32>,
        %get3A_633 = vector.shape_cast %get3A_632 : vector<1x16xf32> to vector<16xf32>
        %mul3A_634 = arith.mulf %get3A_633, %gather3A_585 : vector<16xf32>
        %swap3A_635 = arith.index_cast %add3A_589 : i32 to index
        %swap3A_636 = arith.constant 64 : index
        %swap3A_637 = tpu.vector_load %arg10[%swap3A_635, %swap3A_636] {strides = array<i32>} : memref<80x128xf32, #tpu.memory_space<vmem>>, vector<1x16xf32>,
        %swap3A_638 = vector.shape_cast %swap3A_637 : vector<1x16xf32> to vector<16xf32>
        %swap3A_639 = vector.shape_cast %mul3A_634 : vector<16xf32> to vector<1x16xf32>
        tpu.vector_store %arg10[%swap3A_635, %swap3A_636], %swap3A_639 {strides = array<i32>} : memref<80x128xf32, #tpu.memory_space<vmem>>, vector<1x16xf32>,
        %get3A_640 = arith.index_cast %add3A_589 : i32 to index
        %get3A_641 = arith.constant 80 : index
        %get3A_642 = tpu.vector_load %arg10[%get3A_640, %get3A_641] {strides = array<i32>} : memref<80x128xf32, #tpu.memory_space<vmem>>, vector<1x16xf32>,
        %get3A_643 = vector.shape_cast %get3A_642 : vector<1x16xf32> to vector<16xf32>
        %mul3A_644 = arith.mulf %get3A_643, %gather3A_585 : vector<16xf32>
        %swap3A_645 = arith.index_cast %add3A_589 : i32 to index
        %swap3A_646 = arith.constant 80 : index
        %swap3A_647 = tpu.vector_load %arg10[%swap3A_645, %swap3A_646] {strides = array<i32>} : memref<80x128xf32, #tpu.memory_space<vmem>>, vector<1x16xf32>,
        %swap3A_648 = vector.shape_cast %swap3A_647 : vector<1x16xf32> to vector<16xf32>
        %swap3A_649 = vector.shape_cast %mul3A_644 : vector<16xf32> to vector<1x16xf32>
        tpu.vector_store %arg10[%swap3A_645, %swap3A_646], %swap3A_649 {strides = array<i32>} : memref<80x128xf32, #tpu.memory_space<vmem>>, vector<1x16xf32>,
        %get3A_650 = arith.index_cast %add3A_589 : i32 to index
        %get3A_651 = arith.constant 96 : index
        %get3A_652 = tpu.vector_load %arg10[%get3A_650, %get3A_651] {strides = array<i32>} : memref<80x128xf32, #tpu.memory_space<vmem>>, vector<1x16xf32>,
        %get3A_653 = vector.shape_cast %get3A_652 : vector<1x16xf32> to vector<16xf32>
        %mul3A_654 = arith.mulf %get3A_653, %gather3A_585 : vector<16xf32>
        %swap3A_655 = arith.index_cast %add3A_589 : i32 to index
        %swap3A_656 = arith.constant 96 : index
        %swap3A_657 = tpu.vector_load %arg10[%swap3A_655, %swap3A_656] {strides = array<i32>} : memref<80x128xf32, #tpu.memory_space<vmem>>, vector<1x16xf32>,
        %swap3A_658 = vector.shape_cast %swap3A_657 : vector<1x16xf32> to vector<16xf32>
        %swap3A_659 = vector.shape_cast %mul3A_654 : vector<16xf32> to vector<1x16xf32>
        tpu.vector_store %arg10[%swap3A_655, %swap3A_656], %swap3A_659 {strides = array<i32>} : memref<80x128xf32, #tpu.memory_space<vmem>>, vector<1x16xf32>,
        %get3A_660 = arith.index_cast %add3A_589 : i32 to index
        %get3A_661 = arith.constant 112 : index
        %get3A_662 = tpu.vector_load %arg10[%get3A_660, %get3A_661] {strides = array<i32>} : memref<80x128xf32, #tpu.memory_space<vmem>>, vector<1x16xf32>,
        %get3A_663 = vector.shape_cast %get3A_662 : vector<1x16xf32> to vector<16xf32>
        %mul3A_664 = arith.mulf %get3A_663, %gather3A_585 : vector<16xf32>
        %swap3A_665 = arith.index_cast %add3A_589 : i32 to index
        %swap3A_666 = arith.constant 112 : index
        %swap3A_667 = tpu.vector_load %arg10[%swap3A_665, %swap3A_666] {strides = array<i32>} : memref<80x128xf32, #tpu.memory_space<vmem>>, vector<1x16xf32>,
        %swap3A_668 = vector.shape_cast %swap3A_667 : vector<1x16xf32> to vector<16xf32>
        %swap3A_669 = vector.shape_cast %mul3A_664 : vector<16xf32> to vector<1x16xf32>
        tpu.vector_store %arg10[%swap3A_665, %swap3A_666], %swap3A_669 {strides = array<i32>} : memref<80x128xf32, #tpu.memory_space<vmem>>, vector<1x16xf32>,
        %broadcast_in_dim3A_670 = arith.constant 7 : i32
        %broadcast_in_dim3A_671 = vector.broadcast %broadcast_in_dim3A_670 : i32 to vector<16x1xi32>
        %gather3A_672 = vector.shape_cast %broadcast_in_dim3A_671 : vector<16x1xi32> to vector<16xi32>
        %gather3A_673 = tpu.dynamic_gather %get3A_55[%gather3A_672] in [0] : vector<16xf32>, vector<16xi32> -> vector<16xf32>
        %mul3A_674 = arith.constant 16 : i32
        %mul3A_675 = arith.muli %scan3A_51, %mul3A_674 : i32
        %add3A_676 = arith.constant 7 : i32
        %add3A_677 = arith.addi %mul3A_675, %add3A_676 : i32
        %get3A_678 = arith.index_cast %add3A_677 : i32 to index
        %get3A_679 = arith.constant 0 : index
        %get3A_680 = tpu.vector_load %arg10[%get3A_678, %get3A_679] {strides = array<i32>} : memref<80x128xf32, #tpu.memory_space<vmem>>, vector<1x16xf32>,
        %get3A_681 = vector.shape_cast %get3A_680 : vector<1x16xf32> to vector<16xf32>
        %mul3A_682 = arith.mulf %get3A_681, %gather3A_673 : vector<16xf32>
        %swap3A_683 = arith.index_cast %add3A_677 : i32 to index
        %swap3A_684 = arith.constant 0 : index
        %swap3A_685 = tpu.vector_load %arg10[%swap3A_683, %swap3A_684] {strides = array<i32>} : memref<80x128xf32, #tpu.memory_space<vmem>>, vector<1x16xf32>,
        %swap3A_686 = vector.shape_cast %swap3A_685 : vector<1x16xf32> to vector<16xf32>
        %swap3A_687 = vector.shape_cast %mul3A_682 : vector<16xf32> to vector<1x16xf32>
        tpu.vector_store %arg10[%swap3A_683, %swap3A_684], %swap3A_687 {strides = array<i32>} : memref<80x128xf32, #tpu.memory_space<vmem>>, vector<1x16xf32>,
        %get3A_688 = arith.index_cast %add3A_677 : i32 to index
        %get3A_689 = arith.constant 16 : index
        %get3A_690 = tpu.vector_load %arg10[%get3A_688, %get3A_689] {strides = array<i32>} : memref<80x128xf32, #tpu.memory_space<vmem>>, vector<1x16xf32>,
        %get3A_691 = vector.shape_cast %get3A_690 : vector<1x16xf32> to vector<16xf32>
        %mul3A_692 = arith.mulf %get3A_691, %gather3A_673 : vector<16xf32>
        %swap3A_693 = arith.index_cast %add3A_677 : i32 to index
        %swap3A_694 = arith.constant 16 : index
        %swap3A_695 = tpu.vector_load %arg10[%swap3A_693, %swap3A_694] {strides = array<i32>} : memref<80x128xf32, #tpu.memory_space<vmem>>, vector<1x16xf32>,
        %swap3A_696 = vector.shape_cast %swap3A_695 : vector<1x16xf32> to vector<16xf32>
        %swap3A_697 = vector.shape_cast %mul3A_692 : vector<16xf32> to vector<1x16xf32>
        tpu.vector_store %arg10[%swap3A_693, %swap3A_694], %swap3A_697 {strides = array<i32>} : memref<80x128xf32, #tpu.memory_space<vmem>>, vector<1x16xf32>,
        %get3A_698 = arith.index_cast %add3A_677 : i32 to index
        %get3A_699 = arith.constant 32 : index
        %get3A_700 = tpu.vector_load %arg10[%get3A_698, %get3A_699] {strides = array<i32>} : memref<80x128xf32, #tpu.memory_space<vmem>>, vector<1x16xf32>,
        %get3A_701 = vector.shape_cast %get3A_700 : vector<1x16xf32> to vector<16xf32>
        %mul3A_702 = arith.mulf %get3A_701, %gather3A_673 : vector<16xf32>
        %swap3A_703 = arith.index_cast %add3A_677 : i32 to index
        %swap3A_704 = arith.constant 32 : index
        %swap3A_705 = tpu.vector_load %arg10[%swap3A_703, %swap3A_704] {strides = array<i32>} : memref<80x128xf32, #tpu.memory_space<vmem>>, vector<1x16xf32>,
        %swap3A_706 = vector.shape_cast %swap3A_705 : vector<1x16xf32> to vector<16xf32>
        %swap3A_707 = vector.shape_cast %mul3A_702 : vector<16xf32> to vector<1x16xf32>
        tpu.vector_store %arg10[%swap3A_703, %swap3A_704], %swap3A_707 {strides = array<i32>} : memref<80x128xf32, #tpu.memory_space<vmem>>, vector<1x16xf32>,
        %get3A_708 = arith.index_cast %add3A_677 : i32 to index
        %get3A_709 = arith.constant 48 : index
        %get3A_710 = tpu.vector_load %arg10[%get3A_708, %get3A_709] {strides = array<i32>} : memref<80x128xf32, #tpu.memory_space<vmem>>, vector<1x16xf32>,
        %get3A_711 = vector.shape_cast %get3A_710 : vector<1x16xf32> to vector<16xf32>
        %mul3A_712 = arith.mulf %get3A_711, %gather3A_673 : vector<16xf32>
        %swap3A_713 = arith.index_cast %add3A_677 : i32 to index
        %swap3A_714 = arith.constant 48 : index
        %swap3A_715 = tpu.vector_load %arg10[%swap3A_713, %swap3A_714] {strides = array<i32>} : memref<80x128xf32, #tpu.memory_space<vmem>>, vector<1x16xf32>,
        %swap3A_716 = vector.shape_cast %swap3A_715 : vector<1x16xf32> to vector<16xf32>
        %swap3A_717 = vector.shape_cast %mul3A_712 : vector<16xf32> to vector<1x16xf32>
        tpu.vector_store %arg10[%swap3A_713, %swap3A_714], %swap3A_717 {strides = array<i32>} : memref<80x128xf32, #tpu.memory_space<vmem>>, vector<1x16xf32>,
        %get3A_718 = arith.index_cast %add3A_677 : i32 to index
        %get3A_719 = arith.constant 64 : index
        %get3A_720 = tpu.vector_load %arg10[%get3A_718, %get3A_719] {strides = array<i32>} : memref<80x128xf32, #tpu.memory_space<vmem>>, vector<1x16xf32>,
        %get3A_721 = vector.shape_cast %get3A_720 : vector<1x16xf32> to vector<16xf32>
        %mul3A_722 = arith.mulf %get3A_721, %gather3A_673 : vector<16xf32>
        %swap3A_723 = arith.index_cast %add3A_677 : i32 to index
        %swap3A_724 = arith.constant 64 : index
        %swap3A_725 = tpu.vector_load %arg10[%swap3A_723, %swap3A_724] {strides = array<i32>} : memref<80x128xf32, #tpu.memory_space<vmem>>, vector<1x16xf32>,
        %swap3A_726 = vector.shape_cast %swap3A_725 : vector<1x16xf32> to vector<16xf32>
        %swap3A_727 = vector.shape_cast %mul3A_722 : vector<16xf32> to vector<1x16xf32>
        tpu.vector_store %arg10[%swap3A_723, %swap3A_724], %swap3A_727 {strides = array<i32>} : memref<80x128xf32, #tpu.memory_space<vmem>>, vector<1x16xf32>,
        %get3A_728 = arith.index_cast %add3A_677 : i32 to index
        %get3A_729 = arith.constant 80 : index
        %get3A_730 = tpu.vector_load %arg10[%get3A_728, %get3A_729] {strides = array<i32>} : memref<80x128xf32, #tpu.memory_space<vmem>>, vector<1x16xf32>,
        %get3A_731 = vector.shape_cast %get3A_730 : vector<1x16xf32> to vector<16xf32>
        %mul3A_732 = arith.mulf %get3A_731, %gather3A_673 : vector<16xf32>
        %swap3A_733 = arith.index_cast %add3A_677 : i32 to index
        %swap3A_734 = arith.constant 80 : index
        %swap3A_735 = tpu.vector_load %arg10[%swap3A_733, %swap3A_734] {strides = array<i32>} : memref<80x128xf32, #tpu.memory_space<vmem>>, vector<1x16xf32>,
        %swap3A_736 = vector.shape_cast %swap3A_735 : vector<1x16xf32> to vector<16xf32>
        %swap3A_737 = vector.shape_cast %mul3A_732 : vector<16xf32> to vector<1x16xf32>
        tpu.vector_store %arg10[%swap3A_733, %swap3A_734], %swap3A_737 {strides = array<i32>} : memref<80x128xf32, #tpu.memory_space<vmem>>, vector<1x16xf32>,
        %get3A_738 = arith.index_cast %add3A_677 : i32 to index
        %get3A_739 = arith.constant 96 : index
        %get3A_740 = tpu.vector_load %arg10[%get3A_738, %get3A_739] {strides = array<i32>} : memref<80x128xf32, #tpu.memory_space<vmem>>, vector<1x16xf32>,
        %get3A_741 = vector.shape_cast %get3A_740 : vector<1x16xf32> to vector<16xf32>
        %mul3A_742 = arith.mulf %get3A_741, %gather3A_673 : vector<16xf32>
        %swap3A_743 = arith.index_cast %add3A_677 : i32 to index
        %swap3A_744 = arith.constant 96 : index
        %swap3A_745 = tpu.vector_load %arg10[%swap3A_743, %swap3A_744] {strides = array<i32>} : memref<80x128xf32, #tpu.memory_space<vmem>>, vector<1x16xf32>,
        %swap3A_746 = vector.shape_cast %swap3A_745 : vector<1x16xf32> to vector<16xf32>
        %swap3A_747 = vector.shape_cast %mul3A_742 : vector<16xf32> to vector<1x16xf32>
        tpu.vector_store %arg10[%swap3A_743, %swap3A_744], %swap3A_747 {strides = array<i32>} : memref<80x128xf32, #tpu.memory_space<vmem>>, vector<1x16xf32>,
        %get3A_748 = arith.index_cast %add3A_677 : i32 to index
        %get3A_749 = arith.constant 112 : index
        %get3A_750 = tpu.vector_load %arg10[%get3A_748, %get3A_749] {strides = array<i32>} : memref<80x128xf32, #tpu.memory_space<vmem>>, vector<1x16xf32>,
        %get3A_751 = vector.shape_cast %get3A_750 : vector<1x16xf32> to vector<16xf32>
        %mul3A_752 = arith.mulf %get3A_751, %gather3A_673 : vector<16xf32>
        %swap3A_753 = arith.index_cast %add3A_677 : i32 to index
        %swap3A_754 = arith.constant 112 : index
        %swap3A_755 = tpu.vector_load %arg10[%swap3A_753, %swap3A_754] {strides = array<i32>} : memref<80x128xf32, #tpu.memory_space<vmem>>, vector<1x16xf32>,
        %swap3A_756 = vector.shape_cast %swap3A_755 : vector<1x16xf32> to vector<16xf32>
        %swap3A_757 = vector.shape_cast %mul3A_752 : vector<16xf32> to vector<1x16xf32>
        tpu.vector_store %arg10[%swap3A_753, %swap3A_754], %swap3A_757 {strides = array<i32>} : memref<80x128xf32, #tpu.memory_space<vmem>>, vector<1x16xf32>,
        %broadcast_in_dim3A_758 = arith.constant 8 : i32
        %broadcast_in_dim3A_759 = vector.broadcast %broadcast_in_dim3A_758 : i32 to vector<16x1xi32>
        %gather3A_760 = vector.shape_cast %broadcast_in_dim3A_759 : vector<16x1xi32> to vector<16xi32>
        %gather3A_761 = tpu.dynamic_gather %get3A_55[%gather3A_760] in [0] : vector<16xf32>, vector<16xi32> -> vector<16xf32>
        %mul3A_762 = arith.constant 16 : i32
        %mul3A_763 = arith.muli %scan3A_51, %mul3A_762 : i32
        %add3A_764 = arith.constant 8 : i32
        %add3A_765 = arith.addi %mul3A_763, %add3A_764 : i32
        %get3A_766 = arith.index_cast %add3A_765 : i32 to index
        %get3A_767 = arith.constant 0 : index
        %get3A_768 = tpu.vector_load %arg10[%get3A_766, %get3A_767] {strides = array<i32>} : memref<80x128xf32, #tpu.memory_space<vmem>>, vector<1x16xf32>,
        %get3A_769 = vector.shape_cast %get3A_768 : vector<1x16xf32> to vector<16xf32>
        %mul3A_770 = arith.mulf %get3A_769, %gather3A_761 : vector<16xf32>
        %swap3A_771 = arith.index_cast %add3A_765 : i32 to index
        %swap3A_772 = arith.constant 0 : index
        %swap3A_773 = tpu.vector_load %arg10[%swap3A_771, %swap3A_772] {strides = array<i32>} : memref<80x128xf32, #tpu.memory_space<vmem>>, vector<1x16xf32>,
        %swap3A_774 = vector.shape_cast %swap3A_773 : vector<1x16xf32> to vector<16xf32>
        %swap3A_775 = vector.shape_cast %mul3A_770 : vector<16xf32> to vector<1x16xf32>
        tpu.vector_store %arg10[%swap3A_771, %swap3A_772], %swap3A_775 {strides = array<i32>} : memref<80x128xf32, #tpu.memory_space<vmem>>, vector<1x16xf32>,
        %get3A_776 = arith.index_cast %add3A_765 : i32 to index
        %get3A_777 = arith.constant 16 : index
        %get3A_778 = tpu.vector_load %arg10[%get3A_776, %get3A_777] {strides = array<i32>} : memref<80x128xf32, #tpu.memory_space<vmem>>, vector<1x16xf32>,
        %get3A_779 = vector.shape_cast %get3A_778 : vector<1x16xf32> to vector<16xf32>
        %mul3A_780 = arith.mulf %get3A_779, %gather3A_761 : vector<16xf32>
        %swap3A_781 = arith.index_cast %add3A_765 : i32 to index
        %swap3A_782 = arith.constant 16 : index
        %swap3A_783 = tpu.vector_load %arg10[%swap3A_781, %swap3A_782] {strides = array<i32>} : memref<80x128xf32, #tpu.memory_space<vmem>>, vector<1x16xf32>,
        %swap3A_784 = vector.shape_cast %swap3A_783 : vector<1x16xf32> to vector<16xf32>
        %swap3A_785 = vector.shape_cast %mul3A_780 : vector<16xf32> to vector<1x16xf32>
        tpu.vector_store %arg10[%swap3A_781, %swap3A_782], %swap3A_785 {strides = array<i32>} : memref<80x128xf32, #tpu.memory_space<vmem>>, vector<1x16xf32>,
        %get3A_786 = arith.index_cast %add3A_765 : i32 to index
        %get3A_787 = arith.constant 32 : index
        %get3A_788 = tpu.vector_load %arg10[%get3A_786, %get3A_787] {strides = array<i32>} : memref<80x128xf32, #tpu.memory_space<vmem>>, vector<1x16xf32>,
        %get3A_789 = vector.shape_cast %get3A_788 : vector<1x16xf32> to vector<16xf32>
        %mul3A_790 = arith.mulf %get3A_789, %gather3A_761 : vector<16xf32>
        %swap3A_791 = arith.index_cast %add3A_765 : i32 to index
        %swap3A_792 = arith.constant 32 : index
        %swap3A_793 = tpu.vector_load %arg10[%swap3A_791, %swap3A_792] {strides = array<i32>} : memref<80x128xf32, #tpu.memory_space<vmem>>, vector<1x16xf32>,
        %swap3A_794 = vector.shape_cast %swap3A_793 : vector<1x16xf32> to vector<16xf32>
        %swap3A_795 = vector.shape_cast %mul3A_790 : vector<16xf32> to vector<1x16xf32>
        tpu.vector_store %arg10[%swap3A_791, %swap3A_792], %swap3A_795 {strides = array<i32>} : memref<80x128xf32, #tpu.memory_space<vmem>>, vector<1x16xf32>,
        %get3A_796 = arith.index_cast %add3A_765 : i32 to index
        %get3A_797 = arith.constant 48 : index
        %get3A_798 = tpu.vector_load %arg10[%get3A_796, %get3A_797] {strides = array<i32>} : memref<80x128xf32, #tpu.memory_space<vmem>>, vector<1x16xf32>,
        %get3A_799 = vector.shape_cast %get3A_798 : vector<1x16xf32> to vector<16xf32>
        %mul3A_800 = arith.mulf %get3A_799, %gather3A_761 : vector<16xf32>
        %swap3A_801 = arith.index_cast %add3A_765 : i32 to index
        %swap3A_802 = arith.constant 48 : index
        %swap3A_803 = tpu.vector_load %arg10[%swap3A_801, %swap3A_802] {strides = array<i32>} : memref<80x128xf32, #tpu.memory_space<vmem>>, vector<1x16xf32>,
        %swap3A_804 = vector.shape_cast %swap3A_803 : vector<1x16xf32> to vector<16xf32>
        %swap3A_805 = vector.shape_cast %mul3A_800 : vector<16xf32> to vector<1x16xf32>
        tpu.vector_store %arg10[%swap3A_801, %swap3A_802], %swap3A_805 {strides = array<i32>} : memref<80x128xf32, #tpu.memory_space<vmem>>, vector<1x16xf32>,
        %get3A_806 = arith.index_cast %add3A_765 : i32 to index
        %get3A_807 = arith.constant 64 : index
        %get3A_808 = tpu.vector_load %arg10[%get3A_806, %get3A_807] {strides = array<i32>} : memref<80x128xf32, #tpu.memory_space<vmem>>, vector<1x16xf32>,
        %get3A_809 = vector.shape_cast %get3A_808 : vector<1x16xf32> to vector<16xf32>
        %mul3A_810 = arith.mulf %get3A_809, %gather3A_761 : vector<16xf32>
        %swap3A_811 = arith.index_cast %add3A_765 : i32 to index
        %swap3A_812 = arith.constant 64 : index
        %swap3A_813 = tpu.vector_load %arg10[%swap3A_811, %swap3A_812] {strides = array<i32>} : memref<80x128xf32, #tpu.memory_space<vmem>>, vector<1x16xf32>,
        %swap3A_814 = vector.shape_cast %swap3A_813 : vector<1x16xf32> to vector<16xf32>
        %swap3A_815 = vector.shape_cast %mul3A_810 : vector<16xf32> to vector<1x16xf32>
        tpu.vector_store %arg10[%swap3A_811, %swap3A_812], %swap3A_815 {strides = array<i32>} : memref<80x128xf32, #tpu.memory_space<vmem>>, vector<1x16xf32>,
        %get3A_816 = arith.index_cast %add3A_765 : i32 to index
        %get3A_817 = arith.constant 80 : index
        %get3A_818 = tpu.vector_load %arg10[%get3A_816, %get3A_817] {strides = array<i32>} : memref<80x128xf32, #tpu.memory_space<vmem>>, vector<1x16xf32>,
        %get3A_819 = vector.shape_cast %get3A_818 : vector<1x16xf32> to vector<16xf32>
        %mul3A_820 = arith.mulf %get3A_819, %gather3A_761 : vector<16xf32>
        %swap3A_821 = arith.index_cast %add3A_765 : i32 to index
        %swap3A_822 = arith.constant 80 : index
        %swap3A_823 = tpu.vector_load %arg10[%swap3A_821, %swap3A_822] {strides = array<i32>} : memref<80x128xf32, #tpu.memory_space<vmem>>, vector<1x16xf32>,
        %swap3A_824 = vector.shape_cast %swap3A_823 : vector<1x16xf32> to vector<16xf32>
        %swap3A_825 = vector.shape_cast %mul3A_820 : vector<16xf32> to vector<1x16xf32>
        tpu.vector_store %arg10[%swap3A_821, %swap3A_822], %swap3A_825 {strides = array<i32>} : memref<80x128xf32, #tpu.memory_space<vmem>>, vector<1x16xf32>,
        %get3A_826 = arith.index_cast %add3A_765 : i32 to index
        %get3A_827 = arith.constant 96 : index
        %get3A_828 = tpu.vector_load %arg10[%get3A_826, %get3A_827] {strides = array<i32>} : memref<80x128xf32, #tpu.memory_space<vmem>>, vector<1x16xf32>,
        %get3A_829 = vector.shape_cast %get3A_828 : vector<1x16xf32> to vector<16xf32>
        %mul3A_830 = arith.mulf %get3A_829, %gather3A_761 : vector<16xf32>
        %swap3A_831 = arith.index_cast %add3A_765 : i32 to index
        %swap3A_832 = arith.constant 96 : index
        %swap3A_833 = tpu.vector_load %arg10[%swap3A_831, %swap3A_832] {strides = array<i32>} : memref<80x128xf32, #tpu.memory_space<vmem>>, vector<1x16xf32>,
        %swap3A_834 = vector.shape_cast %swap3A_833 : vector<1x16xf32> to vector<16xf32>
        %swap3A_835 = vector.shape_cast %mul3A_830 : vector<16xf32> to vector<1x16xf32>
        tpu.vector_store %arg10[%swap3A_831, %swap3A_832], %swap3A_835 {strides = array<i32>} : memref<80x128xf32, #tpu.memory_space<vmem>>, vector<1x16xf32>,
        %get3A_836 = arith.index_cast %add3A_765 : i32 to index
        %get3A_837 = arith.constant 112 : index
        %get3A_838 = tpu.vector_load %arg10[%get3A_836, %get3A_837] {strides = array<i32>} : memref<80x128xf32, #tpu.memory_space<vmem>>, vector<1x16xf32>,
        %get3A_839 = vector.shape_cast %get3A_838 : vector<1x16xf32> to vector<16xf32>
        %mul3A_840 = arith.mulf %get3A_839, %gather3A_761 : vector<16xf32>
        %swap3A_841 = arith.index_cast %add3A_765 : i32 to index
        %swap3A_842 = arith.constant 112 : index
        %swap3A_843 = tpu.vector_load %arg10[%swap3A_841, %swap3A_842] {strides = array<i32>} : memref<80x128xf32, #tpu.memory_space<vmem>>, vector<1x16xf32>,
        %swap3A_844 = vector.shape_cast %swap3A_843 : vector<1x16xf32> to vector<16xf32>
        %swap3A_845 = vector.shape_cast %mul3A_840 : vector<16xf32> to vector<1x16xf32>
        tpu.vector_store %arg10[%swap3A_841, %swap3A_842], %swap3A_845 {strides = array<i32>} : memref<80x128xf32, #tpu.memory_space<vmem>>, vector<1x16xf32>,
        %broadcast_in_dim3A_846 = arith.constant 9 : i32
        %broadcast_in_dim3A_847 = vector.broadcast %broadcast_in_dim3A_846 : i32 to vector<16x1xi32>
        %gather3A_848 = vector.shape_cast %broadcast_in_dim3A_847 : vector<16x1xi32> to vector<16xi32>
        %gather3A_849 = tpu.dynamic_gather %get3A_55[%gather3A_848] in [0] : vector<16xf32>, vector<16xi32> -> vector<16xf32>
        %mul3A_850 = arith.constant 16 : i32
        %mul3A_851 = arith.muli %scan3A_51, %mul3A_850 : i32
        %add3A_852 = arith.constant 9 : i32
        %add3A_853 = arith.addi %mul3A_851, %add3A_852 : i32
        %get3A_854 = arith.index_cast %add3A_853 : i32 to index
        %get3A_855 = arith.constant 0 : index
        %get3A_856 = tpu.vector_load %arg10[%get3A_854, %get3A_855] {strides = array<i32>} : memref<80x128xf32, #tpu.memory_space<vmem>>, vector<1x16xf32>,
        %get3A_857 = vector.shape_cast %get3A_856 : vector<1x16xf32> to vector<16xf32>
        %mul3A_858 = arith.mulf %get3A_857, %gather3A_849 : vector<16xf32>
        %swap3A_859 = arith.index_cast %add3A_853 : i32 to index
        %swap3A_860 = arith.constant 0 : index
        %swap3A_861 = tpu.vector_load %arg10[%swap3A_859, %swap3A_860] {strides = array<i32>} : memref<80x128xf32, #tpu.memory_space<vmem>>, vector<1x16xf32>,
        %swap3A_862 = vector.shape_cast %swap3A_861 : vector<1x16xf32> to vector<16xf32>
        %swap3A_863 = vector.shape_cast %mul3A_858 : vector<16xf32> to vector<1x16xf32>
        tpu.vector_store %arg10[%swap3A_859, %swap3A_860], %swap3A_863 {strides = array<i32>} : memref<80x128xf32, #tpu.memory_space<vmem>>, vector<1x16xf32>,
        %get3A_864 = arith.index_cast %add3A_853 : i32 to index
        %get3A_865 = arith.constant 16 : index
        %get3A_866 = tpu.vector_load %arg10[%get3A_864, %get3A_865] {strides = array<i32>} : memref<80x128xf32, #tpu.memory_space<vmem>>, vector<1x16xf32>,
        %get3A_867 = vector.shape_cast %get3A_866 : vector<1x16xf32> to vector<16xf32>
        %mul3A_868 = arith.mulf %get3A_867, %gather3A_849 : vector<16xf32>
        %swap3A_869 = arith.index_cast %add3A_853 : i32 to index
        %swap3A_870 = arith.constant 16 : index
        %swap3A_871 = tpu.vector_load %arg10[%swap3A_869, %swap3A_870] {strides = array<i32>} : memref<80x128xf32, #tpu.memory_space<vmem>>, vector<1x16xf32>,
        %swap3A_872 = vector.shape_cast %swap3A_871 : vector<1x16xf32> to vector<16xf32>
        %swap3A_873 = vector.shape_cast %mul3A_868 : vector<16xf32> to vector<1x16xf32>
        tpu.vector_store %arg10[%swap3A_869, %swap3A_870], %swap3A_873 {strides = array<i32>} : memref<80x128xf32, #tpu.memory_space<vmem>>, vector<1x16xf32>,
        %get3A_874 = arith.index_cast %add3A_853 : i32 to index
        %get3A_875 = arith.constant 32 : index
        %get3A_876 = tpu.vector_load %arg10[%get3A_874, %get3A_875] {strides = array<i32>} : memref<80x128xf32, #tpu.memory_space<vmem>>, vector<1x16xf32>,
        %get3A_877 = vector.shape_cast %get3A_876 : vector<1x16xf32> to vector<16xf32>
        %mul3A_878 = arith.mulf %get3A_877, %gather3A_849 : vector<16xf32>
        %swap3A_879 = arith.index_cast %add3A_853 : i32 to index
        %swap3A_880 = arith.constant 32 : index
        %swap3A_881 = tpu.vector_load %arg10[%swap3A_879, %swap3A_880] {strides = array<i32>} : memref<80x128xf32, #tpu.memory_space<vmem>>, vector<1x16xf32>,
        %swap3A_882 = vector.shape_cast %swap3A_881 : vector<1x16xf32> to vector<16xf32>
        %swap3A_883 = vector.shape_cast %mul3A_878 : vector<16xf32> to vector<1x16xf32>
        tpu.vector_store %arg10[%swap3A_879, %swap3A_880], %swap3A_883 {strides = array<i32>} : memref<80x128xf32, #tpu.memory_space<vmem>>, vector<1x16xf32>,
        %get3A_884 = arith.index_cast %add3A_853 : i32 to index
        %get3A_885 = arith.constant 48 : index
        %get3A_886 = tpu.vector_load %arg10[%get3A_884, %get3A_885] {strides = array<i32>} : memref<80x128xf32, #tpu.memory_space<vmem>>, vector<1x16xf32>,
        %get3A_887 = vector.shape_cast %get3A_886 : vector<1x16xf32> to vector<16xf32>
        %mul3A_888 = arith.mulf %get3A_887, %gather3A_849 : vector<16xf32>
        %swap3A_889 = arith.index_cast %add3A_853 : i32 to index
        %swap3A_890 = arith.constant 48 : index
        %swap3A_891 = tpu.vector_load %arg10[%swap3A_889, %swap3A_890] {strides = array<i32>} : memref<80x128xf32, #tpu.memory_space<vmem>>, vector<1x16xf32>,
        %swap3A_892 = vector.shape_cast %swap3A_891 : vector<1x16xf32> to vector<16xf32>
        %swap3A_893 = vector.shape_cast %mul3A_888 : vector<16xf32> to vector<1x16xf32>
        tpu.vector_store %arg10[%swap3A_889, %swap3A_890], %swap3A_893 {strides = array<i32>} : memref<80x128xf32, #tpu.memory_space<vmem>>, vector<1x16xf32>,
        %get3A_894 = arith.index_cast %add3A_853 : i32 to index
        %get3A_895 = arith.constant 64 : index
        %get3A_896 = tpu.vector_load %arg10[%get3A_894, %get3A_895] {strides = array<i32>} : memref<80x128xf32, #tpu.memory_space<vmem>>, vector<1x16xf32>,
        %get3A_897 = vector.shape_cast %get3A_896 : vector<1x16xf32> to vector<16xf32>
        %mul3A_898 = arith.mulf %get3A_897, %gather3A_849 : vector<16xf32>
        %swap3A_899 = arith.index_cast %add3A_853 : i32 to index
        %swap3A_900 = arith.constant 64 : index
        %swap3A_901 = tpu.vector_load %arg10[%swap3A_899, %swap3A_900] {strides = array<i32>} : memref<80x128xf32, #tpu.memory_space<vmem>>, vector<1x16xf32>,
        %swap3A_902 = vector.shape_cast %swap3A_901 : vector<1x16xf32> to vector<16xf32>
        %swap3A_903 = vector.shape_cast %mul3A_898 : vector<16xf32> to vector<1x16xf32>
        tpu.vector_store %arg10[%swap3A_899, %swap3A_900], %swap3A_903 {strides = array<i32>} : memref<80x128xf32, #tpu.memory_space<vmem>>, vector<1x16xf32>,
        %get3A_904 = arith.index_cast %add3A_853 : i32 to index
        %get3A_905 = arith.constant 80 : index
        %get3A_906 = tpu.vector_load %arg10[%get3A_904, %get3A_905] {strides = array<i32>} : memref<80x128xf32, #tpu.memory_space<vmem>>, vector<1x16xf32>,
        %get3A_907 = vector.shape_cast %get3A_906 : vector<1x16xf32> to vector<16xf32>
        %mul3A_908 = arith.mulf %get3A_907, %gather3A_849 : vector<16xf32>
        %swap3A_909 = arith.index_cast %add3A_853 : i32 to index
        %swap3A_910 = arith.constant 80 : index
        %swap3A_911 = tpu.vector_load %arg10[%swap3A_909, %swap3A_910] {strides = array<i32>} : memref<80x128xf32, #tpu.memory_space<vmem>>, vector<1x16xf32>,
        %swap3A_912 = vector.shape_cast %swap3A_911 : vector<1x16xf32> to vector<16xf32>
        %swap3A_913 = vector.shape_cast %mul3A_908 : vector<16xf32> to vector<1x16xf32>
        tpu.vector_store %arg10[%swap3A_909, %swap3A_910], %swap3A_913 {strides = array<i32>} : memref<80x128xf32, #tpu.memory_space<vmem>>, vector<1x16xf32>,
        %get3A_914 = arith.index_cast %add3A_853 : i32 to index
        %get3A_915 = arith.constant 96 : index
        %get3A_916 = tpu.vector_load %arg10[%get3A_914, %get3A_915] {strides = array<i32>} : memref<80x128xf32, #tpu.memory_space<vmem>>, vector<1x16xf32>,
        %get3A_917 = vector.shape_cast %get3A_916 : vector<1x16xf32> to vector<16xf32>
        %mul3A_918 = arith.mulf %get3A_917, %gather3A_849 : vector<16xf32>
        %swap3A_919 = arith.index_cast %add3A_853 : i32 to index
        %swap3A_920 = arith.constant 96 : index
        %swap3A_921 = tpu.vector_load %arg10[%swap3A_919, %swap3A_920] {strides = array<i32>} : memref<80x128xf32, #tpu.memory_space<vmem>>, vector<1x16xf32>,
        %swap3A_922 = vector.shape_cast %swap3A_921 : vector<1x16xf32> to vector<16xf32>
        %swap3A_923 = vector.shape_cast %mul3A_918 : vector<16xf32> to vector<1x16xf32>
        tpu.vector_store %arg10[%swap3A_919, %swap3A_920], %swap3A_923 {strides = array<i32>} : memref<80x128xf32, #tpu.memory_space<vmem>>, vector<1x16xf32>,
        %get3A_924 = arith.index_cast %add3A_853 : i32 to index
        %get3A_925 = arith.constant 112 : index
        %get3A_926 = tpu.vector_load %arg10[%get3A_924, %get3A_925] {strides = array<i32>} : memref<80x128xf32, #tpu.memory_space<vmem>>, vector<1x16xf32>,
        %get3A_927 = vector.shape_cast %get3A_926 : vector<1x16xf32> to vector<16xf32>
        %mul3A_928 = arith.mulf %get3A_927, %gather3A_849 : vector<16xf32>
        %swap3A_929 = arith.index_cast %add3A_853 : i32 to index
        %swap3A_930 = arith.constant 112 : index
        %swap3A_931 = tpu.vector_load %arg10[%swap3A_929, %swap3A_930] {strides = array<i32>} : memref<80x128xf32, #tpu.memory_space<vmem>>, vector<1x16xf32>,
        %swap3A_932 = vector.shape_cast %swap3A_931 : vector<1x16xf32> to vector<16xf32>
        %swap3A_933 = vector.shape_cast %mul3A_928 : vector<16xf32> to vector<1x16xf32>
        tpu.vector_store %arg10[%swap3A_929, %swap3A_930], %swap3A_933 {strides = array<i32>} : memref<80x128xf32, #tpu.memory_space<vmem>>, vector<1x16xf32>,
        %broadcast_in_dim3A_934 = arith.constant 10 : i32
        %broadcast_in_dim3A_935 = vector.broadcast %broadcast_in_dim3A_934 : i32 to vector<16x1xi32>
        %gather3A_936 = vector.shape_cast %broadcast_in_dim3A_935 : vector<16x1xi32> to vector<16xi32>
        %gather3A_937 = tpu.dynamic_gather %get3A_55[%gather3A_936] in [0] : vector<16xf32>, vector<16xi32> -> vector<16xf32>
        %mul3A_938 = arith.constant 16 : i32
        %mul3A_939 = arith.muli %scan3A_51, %mul3A_938 : i32
        %add3A_940 = arith.constant 10 : i32
        %add3A_941 = arith.addi %mul3A_939, %add3A_940 : i32
        %get3A_942 = arith.index_cast %add3A_941 : i32 to index
        %get3A_943 = arith.constant 0 : index
        %get3A_944 = tpu.vector_load %arg10[%get3A_942, %get3A_943] {strides = array<i32>} : memref<80x128xf32, #tpu.memory_space<vmem>>, vector<1x16xf32>,
        %get3A_945 = vector.shape_cast %get3A_944 : vector<1x16xf32> to vector<16xf32>
        %mul3A_946 = arith.mulf %get3A_945, %gather3A_937 : vector<16xf32>
        %swap3A_947 = arith.index_cast %add3A_941 : i32 to index
        %swap3A_948 = arith.constant 0 : index
        %swap3A_949 = tpu.vector_load %arg10[%swap3A_947, %swap3A_948] {strides = array<i32>} : memref<80x128xf32, #tpu.memory_space<vmem>>, vector<1x16xf32>,
        %swap3A_950 = vector.shape_cast %swap3A_949 : vector<1x16xf32> to vector<16xf32>
        %swap3A_951 = vector.shape_cast %mul3A_946 : vector<16xf32> to vector<1x16xf32>
        tpu.vector_store %arg10[%swap3A_947, %swap3A_948], %swap3A_951 {strides = array<i32>} : memref<80x128xf32, #tpu.memory_space<vmem>>, vector<1x16xf32>,
        %get3A_952 = arith.index_cast %add3A_941 : i32 to index
        %get3A_953 = arith.constant 16 : index
        %get3A_954 = tpu.vector_load %arg10[%get3A_952, %get3A_953] {strides = array<i32>} : memref<80x128xf32, #tpu.memory_space<vmem>>, vector<1x16xf32>,
        %get3A_955 = vector.shape_cast %get3A_954 : vector<1x16xf32> to vector<16xf32>
        %mul3A_956 = arith.mulf %get3A_955, %gather3A_937 : vector<16xf32>
        %swap3A_957 = arith.index_cast %add3A_941 : i32 to index
        %swap3A_958 = arith.constant 16 : index
        %swap3A_959 = tpu.vector_load %arg10[%swap3A_957, %swap3A_958] {strides = array<i32>} : memref<80x128xf32, #tpu.memory_space<vmem>>, vector<1x16xf32>,
        %swap3A_960 = vector.shape_cast %swap3A_959 : vector<1x16xf32> to vector<16xf32>
        %swap3A_961 = vector.shape_cast %mul3A_956 : vector<16xf32> to vector<1x16xf32>
        tpu.vector_store %arg10[%swap3A_957, %swap3A_958], %swap3A_961 {strides = array<i32>} : memref<80x128xf32, #tpu.memory_space<vmem>>, vector<1x16xf32>,
        %get3A_962 = arith.index_cast %add3A_941 : i32 to index
        %get3A_963 = arith.constant 32 : index
        %get3A_964 = tpu.vector_load %arg10[%get3A_962, %get3A_963] {strides = array<i32>} : memref<80x128xf32, #tpu.memory_space<vmem>>, vector<1x16xf32>,
        %get3A_965 = vector.shape_cast %get3A_964 : vector<1x16xf32> to vector<16xf32>
        %mul3A_966 = arith.mulf %get3A_965, %gather3A_937 : vector<16xf32>
        %swap3A_967 = arith.index_cast %add3A_941 : i32 to index
        %swap3A_968 = arith.constant 32 : index
        %swap3A_969 = tpu.vector_load %arg10[%swap3A_967, %swap3A_968] {strides = array<i32>} : memref<80x128xf32, #tpu.memory_space<vmem>>, vector<1x16xf32>,
        %swap3A_970 = vector.shape_cast %swap3A_969 : vector<1x16xf32> to vector<16xf32>
        %swap3A_971 = vector.shape_cast %mul3A_966 : vector<16xf32> to vector<1x16xf32>
        tpu.vector_store %arg10[%swap3A_967, %swap3A_968], %swap3A_971 {strides = array<i32>} : memref<80x128xf32, #tpu.memory_space<vmem>>, vector<1x16xf32>,
        %get3A_972 = arith.index_cast %add3A_941 : i32 to index
        %get3A_973 = arith.constant 48 : index
        %get3A_974 = tpu.vector_load %arg10[%get3A_972, %get3A_973] {strides = array<i32>} : memref<80x128xf32, #tpu.memory_space<vmem>>, vector<1x16xf32>,
        %get3A_975 = vector.shape_cast %get3A_974 : vector<1x16xf32> to vector<16xf32>
        %mul3A_976 = arith.mulf %get3A_975, %gather3A_937 : vector<16xf32>
        %swap3A_977 = arith.index_cast %add3A_941 : i32 to index
        %swap3A_978 = arith.constant 48 : index
        %swap3A_979 = tpu.vector_load %arg10[%swap3A_977, %swap3A_978] {strides = array<i32>} : memref<80x128xf32, #tpu.memory_space<vmem>>, vector<1x16xf32>,
        %swap3A_980 = vector.shape_cast %swap3A_979 : vector<1x16xf32> to vector<16xf32>
        %swap3A_981 = vector.shape_cast %mul3A_976 : vector<16xf32> to vector<1x16xf32>
        tpu.vector_store %arg10[%swap3A_977, %swap3A_978], %swap3A_981 {strides = array<i32>} : memref<80x128xf32, #tpu.memory_space<vmem>>, vector<1x16xf32>,
        %get3A_982 = arith.index_cast %add3A_941 : i32 to index
        %get3A_983 = arith.constant 64 : index
        %get3A_984 = tpu.vector_load %arg10[%get3A_982, %get3A_983] {strides = array<i32>} : memref<80x128xf32, #tpu.memory_space<vmem>>, vector<1x16xf32>,
        %get3A_985 = vector.shape_cast %get3A_984 : vector<1x16xf32> to vector<16xf32>
        %mul3A_986 = arith.mulf %get3A_985, %gather3A_937 : vector<16xf32>
        %swap3A_987 = arith.index_cast %add3A_941 : i32 to index
        %swap3A_988 = arith.constant 64 : index
        %swap3A_989 = tpu.vector_load %arg10[%swap3A_987, %swap3A_988] {strides = array<i32>} : memref<80x128xf32, #tpu.memory_space<vmem>>, vector<1x16xf32>,
        %swap3A_990 = vector.shape_cast %swap3A_989 : vector<1x16xf32> to vector<16xf32>
        %swap3A_991 = vector.shape_cast %mul3A_986 : vector<16xf32> to vector<1x16xf32>
        tpu.vector_store %arg10[%swap3A_987, %swap3A_988], %swap3A_991 {strides = array<i32>} : memref<80x128xf32, #tpu.memory_space<vmem>>, vector<1x16xf32>,
        %get3A_992 = arith.index_cast %add3A_941 : i32 to index
        %get3A_993 = arith.constant 80 : index
        %get3A_994 = tpu.vector_load %arg10[%get3A_992, %get3A_993] {strides = array<i32>} : memref<80x128xf32, #tpu.memory_space<vmem>>, vector<1x16xf32>,
        %get3A_995 = vector.shape_cast %get3A_994 : vector<1x16xf32> to vector<16xf32>
        %mul3A_996 = arith.mulf %get3A_995, %gather3A_937 : vector<16xf32>
        %swap3A_997 = arith.index_cast %add3A_941 : i32 to index
        %swap3A_998 = arith.constant 80 : index
        %swap3A_999 = tpu.vector_load %arg10[%swap3A_997, %swap3A_998] {strides = array<i32>} : memref<80x128xf32, #tpu.memory_space<vmem>>, vector<1x16xf32>,
        %swap3A_1000 = vector.shape_cast %swap3A_999 : vector<1x16xf32> to vector<16xf32>
        %swap3A_1001 = vector.shape_cast %mul3A_996 : vector<16xf32> to vector<1x16xf32>
        tpu.vector_store %arg10[%swap3A_997, %swap3A_998], %swap3A_1001 {strides = array<i32>} : memref<80x128xf32, #tpu.memory_space<vmem>>, vector<1x16xf32>,
        %get3A_1002 = arith.index_cast %add3A_941 : i32 to index
        %get3A_1003 = arith.constant 96 : index
        %get3A_1004 = tpu.vector_load %arg10[%get3A_1002, %get3A_1003] {strides = array<i32>} : memref<80x128xf32, #tpu.memory_space<vmem>>, vector<1x16xf32>,
        %get3A_1005 = vector.shape_cast %get3A_1004 : vector<1x16xf32> to vector<16xf32>
        %mul3A_1006 = arith.mulf %get3A_1005, %gather3A_937 : vector<16xf32>
        %swap3A_1007 = arith.index_cast %add3A_941 : i32 to index
        %swap3A_1008 = arith.constant 96 : index
        %swap3A_1009 = tpu.vector_load %arg10[%swap3A_1007, %swap3A_1008] {strides = array<i32>} : memref<80x128xf32, #tpu.memory_space<vmem>>, vector<1x16xf32>,
        %swap3A_1010 = vector.shape_cast %swap3A_1009 : vector<1x16xf32> to vector<16xf32>
        %swap3A_1011 = vector.shape_cast %mul3A_1006 : vector<16xf32> to vector<1x16xf32>
        tpu.vector_store %arg10[%swap3A_1007, %swap3A_1008], %swap3A_1011 {strides = array<i32>} : memref<80x128xf32, #tpu.memory_space<vmem>>, vector<1x16xf32>,
        %get3A_1012 = arith.index_cast %add3A_941 : i32 to index
        %get3A_1013 = arith.constant 112 : index
        %get3A_1014 = tpu.vector_load %arg10[%get3A_1012, %get3A_1013] {strides = array<i32>} : memref<80x128xf32, #tpu.memory_space<vmem>>, vector<1x16xf32>,
        %get3A_1015 = vector.shape_cast %get3A_1014 : vector<1x16xf32> to vector<16xf32>
        %mul3A_1016 = arith.mulf %get3A_1015, %gather3A_937 : vector<16xf32>
        %swap3A_1017 = arith.index_cast %add3A_941 : i32 to index
        %swap3A_1018 = arith.constant 112 : index
        %swap3A_1019 = tpu.vector_load %arg10[%swap3A_1017, %swap3A_1018] {strides = array<i32>} : memref<80x128xf32, #tpu.memory_space<vmem>>, vector<1x16xf32>,
        %swap3A_1020 = vector.shape_cast %swap3A_1019 : vector<1x16xf32> to vector<16xf32>
        %swap3A_1021 = vector.shape_cast %mul3A_1016 : vector<16xf32> to vector<1x16xf32>
        tpu.vector_store %arg10[%swap3A_1017, %swap3A_1018], %swap3A_1021 {strides = array<i32>} : memref<80x128xf32, #tpu.memory_space<vmem>>, vector<1x16xf32>,
        %broadcast_in_dim3A_1022 = arith.constant 11 : i32
        %broadcast_in_dim3A_1023 = vector.broadcast %broadcast_in_dim3A_1022 : i32 to vector<16x1xi32>
        %gather3A_1024 = vector.shape_cast %broadcast_in_dim3A_1023 : vector<16x1xi32> to vector<16xi32>
        %gather3A_1025 = tpu.dynamic_gather %get3A_55[%gather3A_1024] in [0] : vector<16xf32>, vector<16xi32> -> vector<16xf32>
        %mul3A_1026 = arith.constant 16 : i32
        %mul3A_1027 = arith.muli %scan3A_51, %mul3A_1026 : i32
        %add3A_1028 = arith.constant 11 : i32
        %add3A_1029 = arith.addi %mul3A_1027, %add3A_1028 : i32
        %get3A_1030 = arith.index_cast %add3A_1029 : i32 to index
        %get3A_1031 = arith.constant 0 : index
        %get3A_1032 = tpu.vector_load %arg10[%get3A_1030, %get3A_1031] {strides = array<i32>} : memref<80x128xf32, #tpu.memory_space<vmem>>, vector<1x16xf32>,
        %get3A_1033 = vector.shape_cast %get3A_1032 : vector<1x16xf32> to vector<16xf32>
        %mul3A_1034 = arith.mulf %get3A_1033, %gather3A_1025 : vector<16xf32>
        %swap3A_1035 = arith.index_cast %add3A_1029 : i32 to index
        %swap3A_1036 = arith.constant 0 : index
        %swap3A_1037 = tpu.vector_load %arg10[%swap3A_1035, %swap3A_1036] {strides = array<i32>} : memref<80x128xf32, #tpu.memory_space<vmem>>, vector<1x16xf32>,
        %swap3A_1038 = vector.shape_cast %swap3A_1037 : vector<1x16xf32> to vector<16xf32>
        %swap3A_1039 = vector.shape_cast %mul3A_1034 : vector<16xf32> to vector<1x16xf32>
        tpu.vector_store %arg10[%swap3A_1035, %swap3A_1036], %swap3A_1039 {strides = array<i32>} : memref<80x128xf32, #tpu.memory_space<vmem>>, vector<1x16xf32>,
        %get3A_1040 = arith.index_cast %add3A_1029 : i32 to index
        %get3A_1041 = arith.constant 16 : index
        %get3A_1042 = tpu.vector_load %arg10[%get3A_1040, %get3A_1041] {strides = array<i32>} : memref<80x128xf32, #tpu.memory_space<vmem>>, vector<1x16xf32>,
        %get3A_1043 = vector.shape_cast %get3A_1042 : vector<1x16xf32> to vector<16xf32>
        %mul3A_1044 = arith.mulf %get3A_1043, %gather3A_1025 : vector<16xf32>
        %swap3A_1045 = arith.index_cast %add3A_1029 : i32 to index
        %swap3A_1046 = arith.constant 16 : index
        %swap3A_1047 = tpu.vector_load %arg10[%swap3A_1045, %swap3A_1046] {strides = array<i32>} : memref<80x128xf32, #tpu.memory_space<vmem>>, vector<1x16xf32>,
        %swap3A_1048 = vector.shape_cast %swap3A_1047 : vector<1x16xf32> to vector<16xf32>
        %swap3A_1049 = vector.shape_cast %mul3A_1044 : vector<16xf32> to vector<1x16xf32>
        tpu.vector_store %arg10[%swap3A_1045, %swap3A_1046], %swap3A_1049 {strides = array<i32>} : memref<80x128xf32, #tpu.memory_space<vmem>>, vector<1x16xf32>,
        %get3A_1050 = arith.index_cast %add3A_1029 : i32 to index
        %get3A_1051 = arith.constant 32 : index
        %get3A_1052 = tpu.vector_load %arg10[%get3A_1050, %get3A_1051] {strides = array<i32>} : memref<80x128xf32, #tpu.memory_space<vmem>>, vector<1x16xf32>,
        %get3A_1053 = vector.shape_cast %get3A_1052 : vector<1x16xf32> to vector<16xf32>
        %mul3A_1054 = arith.mulf %get3A_1053, %gather3A_1025 : vector<16xf32>
        %swap3A_1055 = arith.index_cast %add3A_1029 : i32 to index
        %swap3A_1056 = arith.constant 32 : index
        %swap3A_1057 = tpu.vector_load %arg10[%swap3A_1055, %swap3A_1056] {strides = array<i32>} : memref<80x128xf32, #tpu.memory_space<vmem>>, vector<1x16xf32>,
        %swap3A_1058 = vector.shape_cast %swap3A_1057 : vector<1x16xf32> to vector<16xf32>
        %swap3A_1059 = vector.shape_cast %mul3A_1054 : vector<16xf32> to vector<1x16xf32>
        tpu.vector_store %arg10[%swap3A_1055, %swap3A_1056], %swap3A_1059 {strides = array<i32>} : memref<80x128xf32, #tpu.memory_space<vmem>>, vector<1x16xf32>,
        %get3A_1060 = arith.index_cast %add3A_1029 : i32 to index
        %get3A_1061 = arith.constant 48 : index
        %get3A_1062 = tpu.vector_load %arg10[%get3A_1060, %get3A_1061] {strides = array<i32>} : memref<80x128xf32, #tpu.memory_space<vmem>>, vector<1x16xf32>,
        %get3A_1063 = vector.shape_cast %get3A_1062 : vector<1x16xf32> to vector<16xf32>
        %mul3A_1064 = arith.mulf %get3A_1063, %gather3A_1025 : vector<16xf32>
        %swap3A_1065 = arith.index_cast %add3A_1029 : i32 to index
        %swap3A_1066 = arith.constant 48 : index
        %swap3A_1067 = tpu.vector_load %arg10[%swap3A_1065, %swap3A_1066] {strides = array<i32>} : memref<80x128xf32, #tpu.memory_space<vmem>>, vector<1x16xf32>,
        %swap3A_1068 = vector.shape_cast %swap3A_1067 : vector<1x16xf32> to vector<16xf32>
        %swap3A_1069 = vector.shape_cast %mul3A_1064 : vector<16xf32> to vector<1x16xf32>
        tpu.vector_store %arg10[%swap3A_1065, %swap3A_1066], %swap3A_1069 {strides = array<i32>} : memref<80x128xf32, #tpu.memory_space<vmem>>, vector<1x16xf32>,
        %get3A_1070 = arith.index_cast %add3A_1029 : i32 to index
        %get3A_1071 = arith.constant 64 : index
        %get3A_1072 = tpu.vector_load %arg10[%get3A_1070, %get3A_1071] {strides = array<i32>} : memref<80x128xf32, #tpu.memory_space<vmem>>, vector<1x16xf32>,
        %get3A_1073 = vector.shape_cast %get3A_1072 : vector<1x16xf32> to vector<16xf32>
        %mul3A_1074 = arith.mulf %get3A_1073, %gather3A_1025 : vector<16xf32>
        %swap3A_1075 = arith.index_cast %add3A_1029 : i32 to index
        %swap3A_1076 = arith.constant 64 : index
        %swap3A_1077 = tpu.vector_load %arg10[%swap3A_1075, %swap3A_1076] {strides = array<i32>} : memref<80x128xf32, #tpu.memory_space<vmem>>, vector<1x16xf32>,
        %swap3A_1078 = vector.shape_cast %swap3A_1077 : vector<1x16xf32> to vector<16xf32>
        %swap3A_1079 = vector.shape_cast %mul3A_1074 : vector<16xf32> to vector<1x16xf32>
        tpu.vector_store %arg10[%swap3A_1075, %swap3A_1076], %swap3A_1079 {strides = array<i32>} : memref<80x128xf32, #tpu.memory_space<vmem>>, vector<1x16xf32>,
        %get3A_1080 = arith.index_cast %add3A_1029 : i32 to index
        %get3A_1081 = arith.constant 80 : index
        %get3A_1082 = tpu.vector_load %arg10[%get3A_1080, %get3A_1081] {strides = array<i32>} : memref<80x128xf32, #tpu.memory_space<vmem>>, vector<1x16xf32>,
        %get3A_1083 = vector.shape_cast %get3A_1082 : vector<1x16xf32> to vector<16xf32>
        %mul3A_1084 = arith.mulf %get3A_1083, %gather3A_1025 : vector<16xf32>
        %swap3A_1085 = arith.index_cast %add3A_1029 : i32 to index
        %swap3A_1086 = arith.constant 80 : index
        %swap3A_1087 = tpu.vector_load %arg10[%swap3A_1085, %swap3A_1086] {strides = array<i32>} : memref<80x128xf32, #tpu.memory_space<vmem>>, vector<1x16xf32>,
        %swap3A_1088 = vector.shape_cast %swap3A_1087 : vector<1x16xf32> to vector<16xf32>
        %swap3A_1089 = vector.shape_cast %mul3A_1084 : vector<16xf32> to vector<1x16xf32>
        tpu.vector_store %arg10[%swap3A_1085, %swap3A_1086], %swap3A_1089 {strides = array<i32>} : memref<80x128xf32, #tpu.memory_space<vmem>>, vector<1x16xf32>,
        %get3A_1090 = arith.index_cast %add3A_1029 : i32 to index
        %get3A_1091 = arith.constant 96 : index
        %get3A_1092 = tpu.vector_load %arg10[%get3A_1090, %get3A_1091] {strides = array<i32>} : memref<80x128xf32, #tpu.memory_space<vmem>>, vector<1x16xf32>,
        %get3A_1093 = vector.shape_cast %get3A_1092 : vector<1x16xf32> to vector<16xf32>
        %mul3A_1094 = arith.mulf %get3A_1093, %gather3A_1025 : vector<16xf32>
        %swap3A_1095 = arith.index_cast %add3A_1029 : i32 to index
        %swap3A_1096 = arith.constant 96 : index
        %swap3A_1097 = tpu.vector_load %arg10[%swap3A_1095, %swap3A_1096] {strides = array<i32>} : memref<80x128xf32, #tpu.memory_space<vmem>>, vector<1x16xf32>,
        %swap3A_1098 = vector.shape_cast %swap3A_1097 : vector<1x16xf32> to vector<16xf32>
        %swap3A_1099 = vector.shape_cast %mul3A_1094 : vector<16xf32> to vector<1x16xf32>
        tpu.vector_store %arg10[%swap3A_1095, %swap3A_1096], %swap3A_1099 {strides = array<i32>} : memref<80x128xf32, #tpu.memory_space<vmem>>, vector<1x16xf32>,
        %get3A_1100 = arith.index_cast %add3A_1029 : i32 to index
        %get3A_1101 = arith.constant 112 : index
        %get3A_1102 = tpu.vector_load %arg10[%get3A_1100, %get3A_1101] {strides = array<i32>} : memref<80x128xf32, #tpu.memory_space<vmem>>, vector<1x16xf32>,
        %get3A_1103 = vector.shape_cast %get3A_1102 : vector<1x16xf32> to vector<16xf32>
        %mul3A_1104 = arith.mulf %get3A_1103, %gather3A_1025 : vector<16xf32>
        %swap3A_1105 = arith.index_cast %add3A_1029 : i32 to index
        %swap3A_1106 = arith.constant 112 : index
        %swap3A_1107 = tpu.vector_load %arg10[%swap3A_1105, %swap3A_1106] {strides = array<i32>} : memref<80x128xf32, #tpu.memory_space<vmem>>, vector<1x16xf32>,
        %swap3A_1108 = vector.shape_cast %swap3A_1107 : vector<1x16xf32> to vector<16xf32>
        %swap3A_1109 = vector.shape_cast %mul3A_1104 : vector<16xf32> to vector<1x16xf32>
        tpu.vector_store %arg10[%swap3A_1105, %swap3A_1106], %swap3A_1109 {strides = array<i32>} : memref<80x128xf32, #tpu.memory_space<vmem>>, vector<1x16xf32>,
        %broadcast_in_dim3A_1110 = arith.constant 12 : i32
        %broadcast_in_dim3A_1111 = vector.broadcast %broadcast_in_dim3A_1110 : i32 to vector<16x1xi32>
        %gather3A_1112 = vector.shape_cast %broadcast_in_dim3A_1111 : vector<16x1xi32> to vector<16xi32>
        %gather3A_1113 = tpu.dynamic_gather %get3A_55[%gather3A_1112] in [0] : vector<16xf32>, vector<16xi32> -> vector<16xf32>
        %mul3A_1114 = arith.constant 16 : i32
        %mul3A_1115 = arith.muli %scan3A_51, %mul3A_1114 : i32
        %add3A_1116 = arith.constant 12 : i32
        %add3A_1117 = arith.addi %mul3A_1115, %add3A_1116 : i32
        %get3A_1118 = arith.index_cast %add3A_1117 : i32 to index
        %get3A_1119 = arith.constant 0 : index
        %get3A_1120 = tpu.vector_load %arg10[%get3A_1118, %get3A_1119] {strides = array<i32>} : memref<80x128xf32, #tpu.memory_space<vmem>>, vector<1x16xf32>,
        %get3A_1121 = vector.shape_cast %get3A_1120 : vector<1x16xf32> to vector<16xf32>
        %mul3A_1122 = arith.mulf %get3A_1121, %gather3A_1113 : vector<16xf32>
        %swap3A_1123 = arith.index_cast %add3A_1117 : i32 to index
        %swap3A_1124 = arith.constant 0 : index
        %swap3A_1125 = tpu.vector_load %arg10[%swap3A_1123, %swap3A_1124] {strides = array<i32>} : memref<80x128xf32, #tpu.memory_space<vmem>>, vector<1x16xf32>,
        %swap3A_1126 = vector.shape_cast %swap3A_1125 : vector<1x16xf32> to vector<16xf32>
        %swap3A_1127 = vector.shape_cast %mul3A_1122 : vector<16xf32> to vector<1x16xf32>
        tpu.vector_store %arg10[%swap3A_1123, %swap3A_1124], %swap3A_1127 {strides = array<i32>} : memref<80x128xf32, #tpu.memory_space<vmem>>, vector<1x16xf32>,
        %get3A_1128 = arith.index_cast %add3A_1117 : i32 to index
        %get3A_1129 = arith.constant 16 : index
        %get3A_1130 = tpu.vector_load %arg10[%get3A_1128, %get3A_1129] {strides = array<i32>} : memref<80x128xf32, #tpu.memory_space<vmem>>, vector<1x16xf32>,
        %get3A_1131 = vector.shape_cast %get3A_1130 : vector<1x16xf32> to vector<16xf32>
        %mul3A_1132 = arith.mulf %get3A_1131, %gather3A_1113 : vector<16xf32>
        %swap3A_1133 = arith.index_cast %add3A_1117 : i32 to index
        %swap3A_1134 = arith.constant 16 : index
        %swap3A_1135 = tpu.vector_load %arg10[%swap3A_1133, %swap3A_1134] {strides = array<i32>} : memref<80x128xf32, #tpu.memory_space<vmem>>, vector<1x16xf32>,
        %swap3A_1136 = vector.shape_cast %swap3A_1135 : vector<1x16xf32> to vector<16xf32>
        %swap3A_1137 = vector.shape_cast %mul3A_1132 : vector<16xf32> to vector<1x16xf32>
        tpu.vector_store %arg10[%swap3A_1133, %swap3A_1134], %swap3A_1137 {strides = array<i32>} : memref<80x128xf32, #tpu.memory_space<vmem>>, vector<1x16xf32>,
        %get3A_1138 = arith.index_cast %add3A_1117 : i32 to index
        %get3A_1139 = arith.constant 32 : index
        %get3A_1140 = tpu.vector_load %arg10[%get3A_1138, %get3A_1139] {strides = array<i32>} : memref<80x128xf32, #tpu.memory_space<vmem>>, vector<1x16xf32>,
        %get3A_1141 = vector.shape_cast %get3A_1140 : vector<1x16xf32> to vector<16xf32>
        %mul3A_1142 = arith.mulf %get3A_1141, %gather3A_1113 : vector<16xf32>
        %swap3A_1143 = arith.index_cast %add3A_1117 : i32 to index
        %swap3A_1144 = arith.constant 32 : index
        %swap3A_1145 = tpu.vector_load %arg10[%swap3A_1143, %swap3A_1144] {strides = array<i32>} : memref<80x128xf32, #tpu.memory_space<vmem>>, vector<1x16xf32>,
        %swap3A_1146 = vector.shape_cast %swap3A_1145 : vector<1x16xf32> to vector<16xf32>
        %swap3A_1147 = vector.shape_cast %mul3A_1142 : vector<16xf32> to vector<1x16xf32>
        tpu.vector_store %arg10[%swap3A_1143, %swap3A_1144], %swap3A_1147 {strides = array<i32>} : memref<80x128xf32, #tpu.memory_space<vmem>>, vector<1x16xf32>,
        %get3A_1148 = arith.index_cast %add3A_1117 : i32 to index
        %get3A_1149 = arith.constant 48 : index
        %get3A_1150 = tpu.vector_load %arg10[%get3A_1148, %get3A_1149] {strides = array<i32>} : memref<80x128xf32, #tpu.memory_space<vmem>>, vector<1x16xf32>,
        %get3A_1151 = vector.shape_cast %get3A_1150 : vector<1x16xf32> to vector<16xf32>
        %mul3A_1152 = arith.mulf %get3A_1151, %gather3A_1113 : vector<16xf32>
        %swap3A_1153 = arith.index_cast %add3A_1117 : i32 to index
        %swap3A_1154 = arith.constant 48 : index
        %swap3A_1155 = tpu.vector_load %arg10[%swap3A_1153, %swap3A_1154] {strides = array<i32>} : memref<80x128xf32, #tpu.memory_space<vmem>>, vector<1x16xf32>,
        %swap3A_1156 = vector.shape_cast %swap3A_1155 : vector<1x16xf32> to vector<16xf32>
        %swap3A_1157 = vector.shape_cast %mul3A_1152 : vector<16xf32> to vector<1x16xf32>
        tpu.vector_store %arg10[%swap3A_1153, %swap3A_1154], %swap3A_1157 {strides = array<i32>} : memref<80x128xf32, #tpu.memory_space<vmem>>, vector<1x16xf32>,
        %get3A_1158 = arith.index_cast %add3A_1117 : i32 to index
        %get3A_1159 = arith.constant 64 : index
        %get3A_1160 = tpu.vector_load %arg10[%get3A_1158, %get3A_1159] {strides = array<i32>} : memref<80x128xf32, #tpu.memory_space<vmem>>, vector<1x16xf32>,
        %get3A_1161 = vector.shape_cast %get3A_1160 : vector<1x16xf32> to vector<16xf32>
        %mul3A_1162 = arith.mulf %get3A_1161, %gather3A_1113 : vector<16xf32>
        %swap3A_1163 = arith.index_cast %add3A_1117 : i32 to index
        %swap3A_1164 = arith.constant 64 : index
        %swap3A_1165 = tpu.vector_load %arg10[%swap3A_1163, %swap3A_1164] {strides = array<i32>} : memref<80x128xf32, #tpu.memory_space<vmem>>, vector<1x16xf32>,
        %swap3A_1166 = vector.shape_cast %swap3A_1165 : vector<1x16xf32> to vector<16xf32>
        %swap3A_1167 = vector.shape_cast %mul3A_1162 : vector<16xf32> to vector<1x16xf32>
        tpu.vector_store %arg10[%swap3A_1163, %swap3A_1164], %swap3A_1167 {strides = array<i32>} : memref<80x128xf32, #tpu.memory_space<vmem>>, vector<1x16xf32>,
        %get3A_1168 = arith.index_cast %add3A_1117 : i32 to index
        %get3A_1169 = arith.constant 80 : index
        %get3A_1170 = tpu.vector_load %arg10[%get3A_1168, %get3A_1169] {strides = array<i32>} : memref<80x128xf32, #tpu.memory_space<vmem>>, vector<1x16xf32>,
        %get3A_1171 = vector.shape_cast %get3A_1170 : vector<1x16xf32> to vector<16xf32>
        %mul3A_1172 = arith.mulf %get3A_1171, %gather3A_1113 : vector<16xf32>
        %swap3A_1173 = arith.index_cast %add3A_1117 : i32 to index
        %swap3A_1174 = arith.constant 80 : index
        %swap3A_1175 = tpu.vector_load %arg10[%swap3A_1173, %swap3A_1174] {strides = array<i32>} : memref<80x128xf32, #tpu.memory_space<vmem>>, vector<1x16xf32>,
        %swap3A_1176 = vector.shape_cast %swap3A_1175 : vector<1x16xf32> to vector<16xf32>
        %swap3A_1177 = vector.shape_cast %mul3A_1172 : vector<16xf32> to vector<1x16xf32>
        tpu.vector_store %arg10[%swap3A_1173, %swap3A_1174], %swap3A_1177 {strides = array<i32>} : memref<80x128xf32, #tpu.memory_space<vmem>>, vector<1x16xf32>,
        %get3A_1178 = arith.index_cast %add3A_1117 : i32 to index
        %get3A_1179 = arith.constant 96 : index
        %get3A_1180 = tpu.vector_load %arg10[%get3A_1178, %get3A_1179] {strides = array<i32>} : memref<80x128xf32, #tpu.memory_space<vmem>>, vector<1x16xf32>,
        %get3A_1181 = vector.shape_cast %get3A_1180 : vector<1x16xf32> to vector<16xf32>
        %mul3A_1182 = arith.mulf %get3A_1181, %gather3A_1113 : vector<16xf32>
        %swap3A_1183 = arith.index_cast %add3A_1117 : i32 to index
        %swap3A_1184 = arith.constant 96 : index
        %swap3A_1185 = tpu.vector_load %arg10[%swap3A_1183, %swap3A_1184] {strides = array<i32>} : memref<80x128xf32, #tpu.memory_space<vmem>>, vector<1x16xf32>,
        %swap3A_1186 = vector.shape_cast %swap3A_1185 : vector<1x16xf32> to vector<16xf32>
        %swap3A_1187 = vector.shape_cast %mul3A_1182 : vector<16xf32> to vector<1x16xf32>
        tpu.vector_store %arg10[%swap3A_1183, %swap3A_1184], %swap3A_1187 {strides = array<i32>} : memref<80x128xf32, #tpu.memory_space<vmem>>, vector<1x16xf32>,
        %get3A_1188 = arith.index_cast %add3A_1117 : i32 to index
        %get3A_1189 = arith.constant 112 : index
        %get3A_1190 = tpu.vector_load %arg10[%get3A_1188, %get3A_1189] {strides = array<i32>} : memref<80x128xf32, #tpu.memory_space<vmem>>, vector<1x16xf32>,
        %get3A_1191 = vector.shape_cast %get3A_1190 : vector<1x16xf32> to vector<16xf32>
        %mul3A_1192 = arith.mulf %get3A_1191, %gather3A_1113 : vector<16xf32>
        %swap3A_1193 = arith.index_cast %add3A_1117 : i32 to index
        %swap3A_1194 = arith.constant 112 : index
        %swap3A_1195 = tpu.vector_load %arg10[%swap3A_1193, %swap3A_1194] {strides = array<i32>} : memref<80x128xf32, #tpu.memory_space<vmem>>, vector<1x16xf32>,
        %swap3A_1196 = vector.shape_cast %swap3A_1195 : vector<1x16xf32> to vector<16xf32>
        %swap3A_1197 = vector.shape_cast %mul3A_1192 : vector<16xf32> to vector<1x16xf32>
        tpu.vector_store %arg10[%swap3A_1193, %swap3A_1194], %swap3A_1197 {strides = array<i32>} : memref<80x128xf32, #tpu.memory_space<vmem>>, vector<1x16xf32>,
        %broadcast_in_dim3A_1198 = arith.constant 13 : i32
        %broadcast_in_dim3A_1199 = vector.broadcast %broadcast_in_dim3A_1198 : i32 to vector<16x1xi32>
        %gather3A_1200 = vector.shape_cast %broadcast_in_dim3A_1199 : vector<16x1xi32> to vector<16xi32>
        %gather3A_1201 = tpu.dynamic_gather %get3A_55[%gather3A_1200] in [0] : vector<16xf32>, vector<16xi32> -> vector<16xf32>
        %mul3A_1202 = arith.constant 16 : i32
        %mul3A_1203 = arith.muli %scan3A_51, %mul3A_1202 : i32
        %add3A_1204 = arith.constant 13 : i32
        %add3A_1205 = arith.addi %mul3A_1203, %add3A_1204 : i32
        %get3A_1206 = arith.index_cast %add3A_1205 : i32 to index
        %get3A_1207 = arith.constant 0 : index
        %get3A_1208 = tpu.vector_load %arg10[%get3A_1206, %get3A_1207] {strides = array<i32>} : memref<80x128xf32, #tpu.memory_space<vmem>>, vector<1x16xf32>,
        %get3A_1209 = vector.shape_cast %get3A_1208 : vector<1x16xf32> to vector<16xf32>
        %mul3A_1210 = arith.mulf %get3A_1209, %gather3A_1201 : vector<16xf32>
        %swap3A_1211 = arith.index_cast %add3A_1205 : i32 to index
        %swap3A_1212 = arith.constant 0 : index
        %swap3A_1213 = tpu.vector_load %arg10[%swap3A_1211, %swap3A_1212] {strides = array<i32>} : memref<80x128xf32, #tpu.memory_space<vmem>>, vector<1x16xf32>,
        %swap3A_1214 = vector.shape_cast %swap3A_1213 : vector<1x16xf32> to vector<16xf32>
        %swap3A_1215 = vector.shape_cast %mul3A_1210 : vector<16xf32> to vector<1x16xf32>
        tpu.vector_store %arg10[%swap3A_1211, %swap3A_1212], %swap3A_1215 {strides = array<i32>} : memref<80x128xf32, #tpu.memory_space<vmem>>, vector<1x16xf32>,
        %get3A_1216 = arith.index_cast %add3A_1205 : i32 to index
        %get3A_1217 = arith.constant 16 : index
        %get3A_1218 = tpu.vector_load %arg10[%get3A_1216, %get3A_1217] {strides = array<i32>} : memref<80x128xf32, #tpu.memory_space<vmem>>, vector<1x16xf32>,
        %get3A_1219 = vector.shape_cast %get3A_1218 : vector<1x16xf32> to vector<16xf32>
        %mul3A_1220 = arith.mulf %get3A_1219, %gather3A_1201 : vector<16xf32>
        %swap3A_1221 = arith.index_cast %add3A_1205 : i32 to index
        %swap3A_1222 = arith.constant 16 : index
        %swap3A_1223 = tpu.vector_load %arg10[%swap3A_1221, %swap3A_1222] {strides = array<i32>} : memref<80x128xf32, #tpu.memory_space<vmem>>, vector<1x16xf32>,
        %swap3A_1224 = vector.shape_cast %swap3A_1223 : vector<1x16xf32> to vector<16xf32>
        %swap3A_1225 = vector.shape_cast %mul3A_1220 : vector<16xf32> to vector<1x16xf32>
        tpu.vector_store %arg10[%swap3A_1221, %swap3A_1222], %swap3A_1225 {strides = array<i32>} : memref<80x128xf32, #tpu.memory_space<vmem>>, vector<1x16xf32>,
        %get3A_1226 = arith.index_cast %add3A_1205 : i32 to index
        %get3A_1227 = arith.constant 32 : index
        %get3A_1228 = tpu.vector_load %arg10[%get3A_1226, %get3A_1227] {strides = array<i32>} : memref<80x128xf32, #tpu.memory_space<vmem>>, vector<1x16xf32>,
        %get3A_1229 = vector.shape_cast %get3A_1228 : vector<1x16xf32> to vector<16xf32>
        %mul3A_1230 = arith.mulf %get3A_1229, %gather3A_1201 : vector<16xf32>
        %swap3A_1231 = arith.index_cast %add3A_1205 : i32 to index
        %swap3A_1232 = arith.constant 32 : index
        %swap3A_1233 = tpu.vector_load %arg10[%swap3A_1231, %swap3A_1232] {strides = array<i32>} : memref<80x128xf32, #tpu.memory_space<vmem>>, vector<1x16xf32>,
        %swap3A_1234 = vector.shape_cast %swap3A_1233 : vector<1x16xf32> to vector<16xf32>
        %swap3A_1235 = vector.shape_cast %mul3A_1230 : vector<16xf32> to vector<1x16xf32>
        tpu.vector_store %arg10[%swap3A_1231, %swap3A_1232], %swap3A_1235 {strides = array<i32>} : memref<80x128xf32, #tpu.memory_space<vmem>>, vector<1x16xf32>,
        %get3A_1236 = arith.index_cast %add3A_1205 : i32 to index
        %get3A_1237 = arith.constant 48 : index
        %get3A_1238 = tpu.vector_load %arg10[%get3A_1236, %get3A_1237] {strides = array<i32>} : memref<80x128xf32, #tpu.memory_space<vmem>>, vector<1x16xf32>,
        %get3A_1239 = vector.shape_cast %get3A_1238 : vector<1x16xf32> to vector<16xf32>
        %mul3A_1240 = arith.mulf %get3A_1239, %gather3A_1201 : vector<16xf32>
        %swap3A_1241 = arith.index_cast %add3A_1205 : i32 to index
        %swap3A_1242 = arith.constant 48 : index
        %swap3A_1243 = tpu.vector_load %arg10[%swap3A_1241, %swap3A_1242] {strides = array<i32>} : memref<80x128xf32, #tpu.memory_space<vmem>>, vector<1x16xf32>,
        %swap3A_1244 = vector.shape_cast %swap3A_1243 : vector<1x16xf32> to vector<16xf32>
        %swap3A_1245 = vector.shape_cast %mul3A_1240 : vector<16xf32> to vector<1x16xf32>
        tpu.vector_store %arg10[%swap3A_1241, %swap3A_1242], %swap3A_1245 {strides = array<i32>} : memref<80x128xf32, #tpu.memory_space<vmem>>, vector<1x16xf32>,
        %get3A_1246 = arith.index_cast %add3A_1205 : i32 to index
        %get3A_1247 = arith.constant 64 : index
        %get3A_1248 = tpu.vector_load %arg10[%get3A_1246, %get3A_1247] {strides = array<i32>} : memref<80x128xf32, #tpu.memory_space<vmem>>, vector<1x16xf32>,
        %get3A_1249 = vector.shape_cast %get3A_1248 : vector<1x16xf32> to vector<16xf32>
        %mul3A_1250 = arith.mulf %get3A_1249, %gather3A_1201 : vector<16xf32>
        %swap3A_1251 = arith.index_cast %add3A_1205 : i32 to index
        %swap3A_1252 = arith.constant 64 : index
        %swap3A_1253 = tpu.vector_load %arg10[%swap3A_1251, %swap3A_1252] {strides = array<i32>} : memref<80x128xf32, #tpu.memory_space<vmem>>, vector<1x16xf32>,
        %swap3A_1254 = vector.shape_cast %swap3A_1253 : vector<1x16xf32> to vector<16xf32>
        %swap3A_1255 = vector.shape_cast %mul3A_1250 : vector<16xf32> to vector<1x16xf32>
        tpu.vector_store %arg10[%swap3A_1251, %swap3A_1252], %swap3A_1255 {strides = array<i32>} : memref<80x128xf32, #tpu.memory_space<vmem>>, vector<1x16xf32>,
        %get3A_1256 = arith.index_cast %add3A_1205 : i32 to index
        %get3A_1257 = arith.constant 80 : index
        %get3A_1258 = tpu.vector_load %arg10[%get3A_1256, %get3A_1257] {strides = array<i32>} : memref<80x128xf32, #tpu.memory_space<vmem>>, vector<1x16xf32>,
        %get3A_1259 = vector.shape_cast %get3A_1258 : vector<1x16xf32> to vector<16xf32>
        %mul3A_1260 = arith.mulf %get3A_1259, %gather3A_1201 : vector<16xf32>
        %swap3A_1261 = arith.index_cast %add3A_1205 : i32 to index
        %swap3A_1262 = arith.constant 80 : index
        %swap3A_1263 = tpu.vector_load %arg10[%swap3A_1261, %swap3A_1262] {strides = array<i32>} : memref<80x128xf32, #tpu.memory_space<vmem>>, vector<1x16xf32>,
        %swap3A_1264 = vector.shape_cast %swap3A_1263 : vector<1x16xf32> to vector<16xf32>
        %swap3A_1265 = vector.shape_cast %mul3A_1260 : vector<16xf32> to vector<1x16xf32>
        tpu.vector_store %arg10[%swap3A_1261, %swap3A_1262], %swap3A_1265 {strides = array<i32>} : memref<80x128xf32, #tpu.memory_space<vmem>>, vector<1x16xf32>,
        %get3A_1266 = arith.index_cast %add3A_1205 : i32 to index
        %get3A_1267 = arith.constant 96 : index
        %get3A_1268 = tpu.vector_load %arg10[%get3A_1266, %get3A_1267] {strides = array<i32>} : memref<80x128xf32, #tpu.memory_space<vmem>>, vector<1x16xf32>,
        %get3A_1269 = vector.shape_cast %get3A_1268 : vector<1x16xf32> to vector<16xf32>
        %mul3A_1270 = arith.mulf %get3A_1269, %gather3A_1201 : vector<16xf32>
        %swap3A_1271 = arith.index_cast %add3A_1205 : i32 to index
        %swap3A_1272 = arith.constant 96 : index
        %swap3A_1273 = tpu.vector_load %arg10[%swap3A_1271, %swap3A_1272] {strides = array<i32>} : memref<80x128xf32, #tpu.memory_space<vmem>>, vector<1x16xf32>,
        %swap3A_1274 = vector.shape_cast %swap3A_1273 : vector<1x16xf32> to vector<16xf32>
        %swap3A_1275 = vector.shape_cast %mul3A_1270 : vector<16xf32> to vector<1x16xf32>
        tpu.vector_store %arg10[%swap3A_1271, %swap3A_1272], %swap3A_1275 {strides = array<i32>} : memref<80x128xf32, #tpu.memory_space<vmem>>, vector<1x16xf32>,
        %get3A_1276 = arith.index_cast %add3A_1205 : i32 to index
        %get3A_1277 = arith.constant 112 : index
        %get3A_1278 = tpu.vector_load %arg10[%get3A_1276, %get3A_1277] {strides = array<i32>} : memref<80x128xf32, #tpu.memory_space<vmem>>, vector<1x16xf32>,
        %get3A_1279 = vector.shape_cast %get3A_1278 : vector<1x16xf32> to vector<16xf32>
        %mul3A_1280 = arith.mulf %get3A_1279, %gather3A_1201 : vector<16xf32>
        %swap3A_1281 = arith.index_cast %add3A_1205 : i32 to index
        %swap3A_1282 = arith.constant 112 : index
        %swap3A_1283 = tpu.vector_load %arg10[%swap3A_1281, %swap3A_1282] {strides = array<i32>} : memref<80x128xf32, #tpu.memory_space<vmem>>, vector<1x16xf32>,
        %swap3A_1284 = vector.shape_cast %swap3A_1283 : vector<1x16xf32> to vector<16xf32>
        %swap3A_1285 = vector.shape_cast %mul3A_1280 : vector<16xf32> to vector<1x16xf32>
        tpu.vector_store %arg10[%swap3A_1281, %swap3A_1282], %swap3A_1285 {strides = array<i32>} : memref<80x128xf32, #tpu.memory_space<vmem>>, vector<1x16xf32>,
        %broadcast_in_dim3A_1286 = arith.constant 14 : i32
        %broadcast_in_dim3A_1287 = vector.broadcast %broadcast_in_dim3A_1286 : i32 to vector<16x1xi32>
        %gather3A_1288 = vector.shape_cast %broadcast_in_dim3A_1287 : vector<16x1xi32> to vector<16xi32>
        %gather3A_1289 = tpu.dynamic_gather %get3A_55[%gather3A_1288] in [0] : vector<16xf32>, vector<16xi32> -> vector<16xf32>
        %mul3A_1290 = arith.constant 16 : i32
        %mul3A_1291 = arith.muli %scan3A_51, %mul3A_1290 : i32
        %add3A_1292 = arith.constant 14 : i32
        %add3A_1293 = arith.addi %mul3A_1291, %add3A_1292 : i32
        %get3A_1294 = arith.index_cast %add3A_1293 : i32 to index
        %get3A_1295 = arith.constant 0 : index
        %get3A_1296 = tpu.vector_load %arg10[%get3A_1294, %get3A_1295] {strides = array<i32>} : memref<80x128xf32, #tpu.memory_space<vmem>>, vector<1x16xf32>,
        %get3A_1297 = vector.shape_cast %get3A_1296 : vector<1x16xf32> to vector<16xf32>
        %mul3A_1298 = arith.mulf %get3A_1297, %gather3A_1289 : vector<16xf32>
        %swap3A_1299 = arith.index_cast %add3A_1293 : i32 to index
        %swap3A_1300 = arith.constant 0 : index
        %swap3A_1301 = tpu.vector_load %arg10[%swap3A_1299, %swap3A_1300] {strides = array<i32>} : memref<80x128xf32, #tpu.memory_space<vmem>>, vector<1x16xf32>,
        %swap3A_1302 = vector.shape_cast %swap3A_1301 : vector<1x16xf32> to vector<16xf32>
        %swap3A_1303 = vector.shape_cast %mul3A_1298 : vector<16xf32> to vector<1x16xf32>
        tpu.vector_store %arg10[%swap3A_1299, %swap3A_1300], %swap3A_1303 {strides = array<i32>} : memref<80x128xf32, #tpu.memory_space<vmem>>, vector<1x16xf32>,
        %get3A_1304 = arith.index_cast %add3A_1293 : i32 to index
        %get3A_1305 = arith.constant 16 : index
        %get3A_1306 = tpu.vector_load %arg10[%get3A_1304, %get3A_1305] {strides = array<i32>} : memref<80x128xf32, #tpu.memory_space<vmem>>, vector<1x16xf32>,
        %get3A_1307 = vector.shape_cast %get3A_1306 : vector<1x16xf32> to vector<16xf32>
        %mul3A_1308 = arith.mulf %get3A_1307, %gather3A_1289 : vector<16xf32>
        %swap3A_1309 = arith.index_cast %add3A_1293 : i32 to index
        %swap3A_1310 = arith.constant 16 : index
        %swap3A_1311 = tpu.vector_load %arg10[%swap3A_1309, %swap3A_1310] {strides = array<i32>} : memref<80x128xf32, #tpu.memory_space<vmem>>, vector<1x16xf32>,
        %swap3A_1312 = vector.shape_cast %swap3A_1311 : vector<1x16xf32> to vector<16xf32>
        %swap3A_1313 = vector.shape_cast %mul3A_1308 : vector<16xf32> to vector<1x16xf32>
        tpu.vector_store %arg10[%swap3A_1309, %swap3A_1310], %swap3A_1313 {strides = array<i32>} : memref<80x128xf32, #tpu.memory_space<vmem>>, vector<1x16xf32>,
        %get3A_1314 = arith.index_cast %add3A_1293 : i32 to index
        %get3A_1315 = arith.constant 32 : index
        %get3A_1316 = tpu.vector_load %arg10[%get3A_1314, %get3A_1315] {strides = array<i32>} : memref<80x128xf32, #tpu.memory_space<vmem>>, vector<1x16xf32>,
        %get3A_1317 = vector.shape_cast %get3A_1316 : vector<1x16xf32> to vector<16xf32>
        %mul3A_1318 = arith.mulf %get3A_1317, %gather3A_1289 : vector<16xf32>
        %swap3A_1319 = arith.index_cast %add3A_1293 : i32 to index
        %swap3A_1320 = arith.constant 32 : index
        %swap3A_1321 = tpu.vector_load %arg10[%swap3A_1319, %swap3A_1320] {strides = array<i32>} : memref<80x128xf32, #tpu.memory_space<vmem>>, vector<1x16xf32>,
        %swap3A_1322 = vector.shape_cast %swap3A_1321 : vector<1x16xf32> to vector<16xf32>
        %swap3A_1323 = vector.shape_cast %mul3A_1318 : vector<16xf32> to vector<1x16xf32>
        tpu.vector_store %arg10[%swap3A_1319, %swap3A_1320], %swap3A_1323 {strides = array<i32>} : memref<80x128xf32, #tpu.memory_space<vmem>>, vector<1x16xf32>,
        %get3A_1324 = arith.index_cast %add3A_1293 : i32 to index
        %get3A_1325 = arith.constant 48 : index
        %get3A_1326 = tpu.vector_load %arg10[%get3A_1324, %get3A_1325] {strides = array<i32>} : memref<80x128xf32, #tpu.memory_space<vmem>>, vector<1x16xf32>,
        %get3A_1327 = vector.shape_cast %get3A_1326 : vector<1x16xf32> to vector<16xf32>
        %mul3A_1328 = arith.mulf %get3A_1327, %gather3A_1289 : vector<16xf32>
        %swap3A_1329 = arith.index_cast %add3A_1293 : i32 to index
        %swap3A_1330 = arith.constant 48 : index
        %swap3A_1331 = tpu.vector_load %arg10[%swap3A_1329, %swap3A_1330] {strides = array<i32>} : memref<80x128xf32, #tpu.memory_space<vmem>>, vector<1x16xf32>,
        %swap3A_1332 = vector.shape_cast %swap3A_1331 : vector<1x16xf32> to vector<16xf32>
        %swap3A_1333 = vector.shape_cast %mul3A_1328 : vector<16xf32> to vector<1x16xf32>
        tpu.vector_store %arg10[%swap3A_1329, %swap3A_1330], %swap3A_1333 {strides = array<i32>} : memref<80x128xf32, #tpu.memory_space<vmem>>, vector<1x16xf32>,
        %get3A_1334 = arith.index_cast %add3A_1293 : i32 to index
        %get3A_1335 = arith.constant 64 : index
        %get3A_1336 = tpu.vector_load %arg10[%get3A_1334, %get3A_1335] {strides = array<i32>} : memref<80x128xf32, #tpu.memory_space<vmem>>, vector<1x16xf32>,
        %get3A_1337 = vector.shape_cast %get3A_1336 : vector<1x16xf32> to vector<16xf32>
        %mul3A_1338 = arith.mulf %get3A_1337, %gather3A_1289 : vector<16xf32>
        %swap3A_1339 = arith.index_cast %add3A_1293 : i32 to index
        %swap3A_1340 = arith.constant 64 : index
        %swap3A_1341 = tpu.vector_load %arg10[%swap3A_1339, %swap3A_1340] {strides = array<i32>} : memref<80x128xf32, #tpu.memory_space<vmem>>, vector<1x16xf32>,
        %swap3A_1342 = vector.shape_cast %swap3A_1341 : vector<1x16xf32> to vector<16xf32>
        %swap3A_1343 = vector.shape_cast %mul3A_1338 : vector<16xf32> to vector<1x16xf32>
        tpu.vector_store %arg10[%swap3A_1339, %swap3A_1340], %swap3A_1343 {strides = array<i32>} : memref<80x128xf32, #tpu.memory_space<vmem>>, vector<1x16xf32>,
        %get3A_1344 = arith.index_cast %add3A_1293 : i32 to index
        %get3A_1345 = arith.constant 80 : index
        %get3A_1346 = tpu.vector_load %arg10[%get3A_1344, %get3A_1345] {strides = array<i32>} : memref<80x128xf32, #tpu.memory_space<vmem>>, vector<1x16xf32>,
        %get3A_1347 = vector.shape_cast %get3A_1346 : vector<1x16xf32> to vector<16xf32>
        %mul3A_1348 = arith.mulf %get3A_1347, %gather3A_1289 : vector<16xf32>
        %swap3A_1349 = arith.index_cast %add3A_1293 : i32 to index
        %swap3A_1350 = arith.constant 80 : index
        %swap3A_1351 = tpu.vector_load %arg10[%swap3A_1349, %swap3A_1350] {strides = array<i32>} : memref<80x128xf32, #tpu.memory_space<vmem>>, vector<1x16xf32>,
        %swap3A_1352 = vector.shape_cast %swap3A_1351 : vector<1x16xf32> to vector<16xf32>
        %swap3A_1353 = vector.shape_cast %mul3A_1348 : vector<16xf32> to vector<1x16xf32>
        tpu.vector_store %arg10[%swap3A_1349, %swap3A_1350], %swap3A_1353 {strides = array<i32>} : memref<80x128xf32, #tpu.memory_space<vmem>>, vector<1x16xf32>,
        %get3A_1354 = arith.index_cast %add3A_1293 : i32 to index
        %get3A_1355 = arith.constant 96 : index
        %get3A_1356 = tpu.vector_load %arg10[%get3A_1354, %get3A_1355] {strides = array<i32>} : memref<80x128xf32, #tpu.memory_space<vmem>>, vector<1x16xf32>,
        %get3A_1357 = vector.shape_cast %get3A_1356 : vector<1x16xf32> to vector<16xf32>
        %mul3A_1358 = arith.mulf %get3A_1357, %gather3A_1289 : vector<16xf32>
        %swap3A_1359 = arith.index_cast %add3A_1293 : i32 to index
        %swap3A_1360 = arith.constant 96 : index
        %swap3A_1361 = tpu.vector_load %arg10[%swap3A_1359, %swap3A_1360] {strides = array<i32>} : memref<80x128xf32, #tpu.memory_space<vmem>>, vector<1x16xf32>,
        %swap3A_1362 = vector.shape_cast %swap3A_1361 : vector<1x16xf32> to vector<16xf32>
        %swap3A_1363 = vector.shape_cast %mul3A_1358 : vector<16xf32> to vector<1x16xf32>
        tpu.vector_store %arg10[%swap3A_1359, %swap3A_1360], %swap3A_1363 {strides = array<i32>} : memref<80x128xf32, #tpu.memory_space<vmem>>, vector<1x16xf32>,
        %get3A_1364 = arith.index_cast %add3A_1293 : i32 to index
        %get3A_1365 = arith.constant 112 : index
        %get3A_1366 = tpu.vector_load %arg10[%get3A_1364, %get3A_1365] {strides = array<i32>} : memref<80x128xf32, #tpu.memory_space<vmem>>, vector<1x16xf32>,
        %get3A_1367 = vector.shape_cast %get3A_1366 : vector<1x16xf32> to vector<16xf32>
        %mul3A_1368 = arith.mulf %get3A_1367, %gather3A_1289 : vector<16xf32>
        %swap3A_1369 = arith.index_cast %add3A_1293 : i32 to index
        %swap3A_1370 = arith.constant 112 : index
        %swap3A_1371 = tpu.vector_load %arg10[%swap3A_1369, %swap3A_1370] {strides = array<i32>} : memref<80x128xf32, #tpu.memory_space<vmem>>, vector<1x16xf32>,
        %swap3A_1372 = vector.shape_cast %swap3A_1371 : vector<1x16xf32> to vector<16xf32>
        %swap3A_1373 = vector.shape_cast %mul3A_1368 : vector<16xf32> to vector<1x16xf32>
        tpu.vector_store %arg10[%swap3A_1369, %swap3A_1370], %swap3A_1373 {strides = array<i32>} : memref<80x128xf32, #tpu.memory_space<vmem>>, vector<1x16xf32>,
        %broadcast_in_dim3A_1374 = arith.constant 15 : i32
        %broadcast_in_dim3A_1375 = vector.broadcast %broadcast_in_dim3A_1374 : i32 to vector<16x1xi32>
        %gather3A_1376 = vector.shape_cast %broadcast_in_dim3A_1375 : vector<16x1xi32> to vector<16xi32>
        %gather3A_1377 = tpu.dynamic_gather %get3A_55[%gather3A_1376] in [0] : vector<16xf32>, vector<16xi32> -> vector<16xf32>
        %mul3A_1378 = arith.constant 16 : i32
        %mul3A_1379 = arith.muli %scan3A_51, %mul3A_1378 : i32
        %add3A_1380 = arith.constant 15 : i32
        %add3A_1381 = arith.addi %mul3A_1379, %add3A_1380 : i32
        %get3A_1382 = arith.index_cast %add3A_1381 : i32 to index
        %get3A_1383 = arith.constant 0 : index
        %get3A_1384 = tpu.vector_load %arg10[%get3A_1382, %get3A_1383] {strides = array<i32>} : memref<80x128xf32, #tpu.memory_space<vmem>>, vector<1x16xf32>,
        %get3A_1385 = vector.shape_cast %get3A_1384 : vector<1x16xf32> to vector<16xf32>
        %mul3A_1386 = arith.mulf %get3A_1385, %gather3A_1377 : vector<16xf32>
        %swap3A_1387 = arith.index_cast %add3A_1381 : i32 to index
        %swap3A_1388 = arith.constant 0 : index
        %swap3A_1389 = tpu.vector_load %arg10[%swap3A_1387, %swap3A_1388] {strides = array<i32>} : memref<80x128xf32, #tpu.memory_space<vmem>>, vector<1x16xf32>,
        %swap3A_1390 = vector.shape_cast %swap3A_1389 : vector<1x16xf32> to vector<16xf32>
        %swap3A_1391 = vector.shape_cast %mul3A_1386 : vector<16xf32> to vector<1x16xf32>
        tpu.vector_store %arg10[%swap3A_1387, %swap3A_1388], %swap3A_1391 {strides = array<i32>} : memref<80x128xf32, #tpu.memory_space<vmem>>, vector<1x16xf32>,
        %get3A_1392 = arith.index_cast %add3A_1381 : i32 to index
        %get3A_1393 = arith.constant 16 : index
        %get3A_1394 = tpu.vector_load %arg10[%get3A_1392, %get3A_1393] {strides = array<i32>} : memref<80x128xf32, #tpu.memory_space<vmem>>, vector<1x16xf32>,
        %get3A_1395 = vector.shape_cast %get3A_1394 : vector<1x16xf32> to vector<16xf32>
        %mul3A_1396 = arith.mulf %get3A_1395, %gather3A_1377 : vector<16xf32>
        %swap3A_1397 = arith.index_cast %add3A_1381 : i32 to index
        %swap3A_1398 = arith.constant 16 : index
        %swap3A_1399 = tpu.vector_load %arg10[%swap3A_1397, %swap3A_1398] {strides = array<i32>} : memref<80x128xf32, #tpu.memory_space<vmem>>, vector<1x16xf32>,
        %swap3A_1400 = vector.shape_cast %swap3A_1399 : vector<1x16xf32> to vector<16xf32>
        %swap3A_1401 = vector.shape_cast %mul3A_1396 : vector<16xf32> to vector<1x16xf32>
        tpu.vector_store %arg10[%swap3A_1397, %swap3A_1398], %swap3A_1401 {strides = array<i32>} : memref<80x128xf32, #tpu.memory_space<vmem>>, vector<1x16xf32>,
        %get3A_1402 = arith.index_cast %add3A_1381 : i32 to index
        %get3A_1403 = arith.constant 32 : index
        %get3A_1404 = tpu.vector_load %arg10[%get3A_1402, %get3A_1403] {strides = array<i32>} : memref<80x128xf32, #tpu.memory_space<vmem>>, vector<1x16xf32>,
        %get3A_1405 = vector.shape_cast %get3A_1404 : vector<1x16xf32> to vector<16xf32>
        %mul3A_1406 = arith.mulf %get3A_1405, %gather3A_1377 : vector<16xf32>
        %swap3A_1407 = arith.index_cast %add3A_1381 : i32 to index
        %swap3A_1408 = arith.constant 32 : index
        %swap3A_1409 = tpu.vector_load %arg10[%swap3A_1407, %swap3A_1408] {strides = array<i32>} : memref<80x128xf32, #tpu.memory_space<vmem>>, vector<1x16xf32>,
        %swap3A_1410 = vector.shape_cast %swap3A_1409 : vector<1x16xf32> to vector<16xf32>
        %swap3A_1411 = vector.shape_cast %mul3A_1406 : vector<16xf32> to vector<1x16xf32>
        tpu.vector_store %arg10[%swap3A_1407, %swap3A_1408], %swap3A_1411 {strides = array<i32>} : memref<80x128xf32, #tpu.memory_space<vmem>>, vector<1x16xf32>,
        %get3A_1412 = arith.index_cast %add3A_1381 : i32 to index
        %get3A_1413 = arith.constant 48 : index
        %get3A_1414 = tpu.vector_load %arg10[%get3A_1412, %get3A_1413] {strides = array<i32>} : memref<80x128xf32, #tpu.memory_space<vmem>>, vector<1x16xf32>,
        %get3A_1415 = vector.shape_cast %get3A_1414 : vector<1x16xf32> to vector<16xf32>
        %mul3A_1416 = arith.mulf %get3A_1415, %gather3A_1377 : vector<16xf32>
        %swap3A_1417 = arith.index_cast %add3A_1381 : i32 to index
        %swap3A_1418 = arith.constant 48 : index
        %swap3A_1419 = tpu.vector_load %arg10[%swap3A_1417, %swap3A_1418] {strides = array<i32>} : memref<80x128xf32, #tpu.memory_space<vmem>>, vector<1x16xf32>,
        %swap3A_1420 = vector.shape_cast %swap3A_1419 : vector<1x16xf32> to vector<16xf32>
        %swap3A_1421 = vector.shape_cast %mul3A_1416 : vector<16xf32> to vector<1x16xf32>
        tpu.vector_store %arg10[%swap3A_1417, %swap3A_1418], %swap3A_1421 {strides = array<i32>} : memref<80x128xf32, #tpu.memory_space<vmem>>, vector<1x16xf32>,
        %get3A_1422 = arith.index_cast %add3A_1381 : i32 to index
        %get3A_1423 = arith.constant 64 : index
        %get3A_1424 = tpu.vector_load %arg10[%get3A_1422, %get3A_1423] {strides = array<i32>} : memref<80x128xf32, #tpu.memory_space<vmem>>, vector<1x16xf32>,
        %get3A_1425 = vector.shape_cast %get3A_1424 : vector<1x16xf32> to vector<16xf32>
        %mul3A_1426 = arith.mulf %get3A_1425, %gather3A_1377 : vector<16xf32>
        %swap3A_1427 = arith.index_cast %add3A_1381 : i32 to index
        %swap3A_1428 = arith.constant 64 : index
        %swap3A_1429 = tpu.vector_load %arg10[%swap3A_1427, %swap3A_1428] {strides = array<i32>} : memref<80x128xf32, #tpu.memory_space<vmem>>, vector<1x16xf32>,
        %swap3A_1430 = vector.shape_cast %swap3A_1429 : vector<1x16xf32> to vector<16xf32>
        %swap3A_1431 = vector.shape_cast %mul3A_1426 : vector<16xf32> to vector<1x16xf32>
        tpu.vector_store %arg10[%swap3A_1427, %swap3A_1428], %swap3A_1431 {strides = array<i32>} : memref<80x128xf32, #tpu.memory_space<vmem>>, vector<1x16xf32>,
        %get3A_1432 = arith.index_cast %add3A_1381 : i32 to index
        %get3A_1433 = arith.constant 80 : index
        %get3A_1434 = tpu.vector_load %arg10[%get3A_1432, %get3A_1433] {strides = array<i32>} : memref<80x128xf32, #tpu.memory_space<vmem>>, vector<1x16xf32>,
        %get3A_1435 = vector.shape_cast %get3A_1434 : vector<1x16xf32> to vector<16xf32>
        %mul3A_1436 = arith.mulf %get3A_1435, %gather3A_1377 : vector<16xf32>
        %swap3A_1437 = arith.index_cast %add3A_1381 : i32 to index
        %swap3A_1438 = arith.constant 80 : index
        %swap3A_1439 = tpu.vector_load %arg10[%swap3A_1437, %swap3A_1438] {strides = array<i32>} : memref<80x128xf32, #tpu.memory_space<vmem>>, vector<1x16xf32>,
        %swap3A_1440 = vector.shape_cast %swap3A_1439 : vector<1x16xf32> to vector<16xf32>
        %swap3A_1441 = vector.shape_cast %mul3A_1436 : vector<16xf32> to vector<1x16xf32>
        tpu.vector_store %arg10[%swap3A_1437, %swap3A_1438], %swap3A_1441 {strides = array<i32>} : memref<80x128xf32, #tpu.memory_space<vmem>>, vector<1x16xf32>,
        %get3A_1442 = arith.index_cast %add3A_1381 : i32 to index
        %get3A_1443 = arith.constant 96 : index
        %get3A_1444 = tpu.vector_load %arg10[%get3A_1442, %get3A_1443] {strides = array<i32>} : memref<80x128xf32, #tpu.memory_space<vmem>>, vector<1x16xf32>,
        %get3A_1445 = vector.shape_cast %get3A_1444 : vector<1x16xf32> to vector<16xf32>
        %mul3A_1446 = arith.mulf %get3A_1445, %gather3A_1377 : vector<16xf32>
        %swap3A_1447 = arith.index_cast %add3A_1381 : i32 to index
        %swap3A_1448 = arith.constant 96 : index
        %swap3A_1449 = tpu.vector_load %arg10[%swap3A_1447, %swap3A_1448] {strides = array<i32>} : memref<80x128xf32, #tpu.memory_space<vmem>>, vector<1x16xf32>,
        %swap3A_1450 = vector.shape_cast %swap3A_1449 : vector<1x16xf32> to vector<16xf32>
        %swap3A_1451 = vector.shape_cast %mul3A_1446 : vector<16xf32> to vector<1x16xf32>
        tpu.vector_store %arg10[%swap3A_1447, %swap3A_1448], %swap3A_1451 {strides = array<i32>} : memref<80x128xf32, #tpu.memory_space<vmem>>, vector<1x16xf32>,
        %get3A_1452 = arith.index_cast %add3A_1381 : i32 to index
        %get3A_1453 = arith.constant 112 : index
        %get3A_1454 = tpu.vector_load %arg10[%get3A_1452, %get3A_1453] {strides = array<i32>} : memref<80x128xf32, #tpu.memory_space<vmem>>, vector<1x16xf32>,
        %get3A_1455 = vector.shape_cast %get3A_1454 : vector<1x16xf32> to vector<16xf32>
        %mul3A_1456 = arith.mulf %get3A_1455, %gather3A_1377 : vector<16xf32>
        %swap3A_1457 = arith.index_cast %add3A_1381 : i32 to index
        %swap3A_1458 = arith.constant 112 : index
        %swap3A_1459 = tpu.vector_load %arg10[%swap3A_1457, %swap3A_1458] {strides = array<i32>} : memref<80x128xf32, #tpu.memory_space<vmem>>, vector<1x16xf32>,
        %swap3A_1460 = vector.shape_cast %swap3A_1459 : vector<1x16xf32> to vector<16xf32>
        %swap3A_1461 = vector.shape_cast %mul3A_1456 : vector<16xf32> to vector<1x16xf32>
        tpu.vector_store %arg10[%swap3A_1457, %swap3A_1458], %swap3A_1461 {strides = array<i32>} : memref<80x128xf32, #tpu.memory_space<vmem>>, vector<1x16xf32>,
      }
      %scan3A_50 = arith.constant 5 : i32
      "tpu.region"() ({
        %run_scoped3A = tpu.sem_alloc : memref<!tpu.dma_semaphore, #tpu.memory_space<semaphore_mem>>
        %dma_start3A_51 = arith.constant 0 : i32
        %dma_start3A_52 = arith.constant 0 : i32
        %dma_start3A_53 = tpu.memref_slice %arg12[%dma_start3A_51, %dma_start3A_52] : memref<10000x128xf32, #tpu.memory_space<vmem_shared>> -> memref<10000x128xf32, #tpu.memory_space<vmem_shared>>
        tpu.enqueue_indirect_dma source(%arg10 : memref<80x128xf32, #tpu.memory_space<vmem>>) target(%dma_start3A_53 : memref<10000x128xf32, #tpu.memory_space<vmem_shared>>) offsets(%arg8 : memref<80xi32, #tpu.memory_space<vmem>>) semaphore(%run_scoped3A : memref<!tpu.dma_semaphore, #tpu.memory_space<semaphore_mem>>) {add = true}
        %dma_wait3A_54 = arith.constant 0 : i32
        %dma_wait3A_55 = arith.constant 0 : i32
        %dma_wait3A_56 = tpu.memref_slice %arg12[%dma_wait3A_54, %dma_wait3A_55] : memref<10000x128xf32, #tpu.memory_space<vmem_shared>> -> memref<10000x128xf32, #tpu.memory_space<vmem_shared>>
        tpu.wait_indirect_dma semaphore(%run_scoped3A : memref<!tpu.dma_semaphore, #tpu.memory_space<semaphore_mem>>) src(%arg10 : memref<80x128xf32, #tpu.memory_space<vmem>>) dst(%dma_wait3A_56 : memref<10000x128xf32, #tpu.memory_space<vmem_shared>>)
        tpu.yield
      }) : () -> ()
    }
    %scan3A_23 = arith.constant 125 : i32
    %barrier3A_24 = arith.constant 0 : index
    tpu.barrier barrier_id(%barrier3A_24)
    %while3A_25 = arith.constant 0 : i32
    %while3A_26 = arith.constant 0 : i32
    %while3A_27 = arith.subi %select_n3A, %while3A_26 : i32
    %while3A_28 = arith.addi %while3A_26, %while3A_27 : i32
    %while3A_29 = arith.constant 1 : i32
    %while3A_30 = arith.divsi %while3A_27, %while3A_29 : i32
    %while3A_31 = arith.muli %while3A_30, %while3A_29 : i32
    %while3A_32 = arith.addi %while3A_26, %while3A_31 : i32
    %while3A_33 = arith.constant 1 : i32
    scf.for %while3A_35 = %while3A_26 to %while3A_32 step %while3A_33  : i32 {
      %mul3A_36 = arith.constant 16 : i32
      %mul3A_37 = arith.muli %while3A_35, %mul3A_36 : i32
      %add3A_38 = arith.addi %arg1, %mul3A_37 : i32
      %mul3A_39 = arith.constant 40 : i32
      %mul3A_40 = arith.muli %add3A_38, %mul3A_39 : i32
      %multiple_of3A = tpu.assume_multiple %mul3A_40, 8 : i32
      "tpu.region"() ({
        %run_scoped3A = tpu.sem_alloc : memref<!tpu.dma_semaphore, #tpu.memory_space<semaphore_mem>>
        %dma_start3A = arith.constant 0 : i32
        %dma_start3A_41 = tpu.memref_slice %arg6[%arg0, %multiple_of3A, %dma_start3A] : memref<2x10000x128xf32, #tpu.memory_space<hbm>> -> memref<1x40x128xf32, #tpu.memory_space<hbm>>
        %dma_start3A_42 = tpu.memref_squeeze %dma_start3A_41 : memref<1x40x128xf32, #tpu.memory_space<hbm>> -> memref<40x128xf32, #tpu.memory_space<hbm>>
        %dma_start3A_43 = arith.constant 0 : i32
        %dma_start3A_44 = tpu.memref_slice %arg12[%multiple_of3A, %dma_start3A_43] : memref<10000x128xf32, #tpu.memory_space<vmem_shared>> -> memref<40x128xf32, #tpu.memory_space<vmem_shared>>
        tpu.enqueue_dma source(%dma_start3A_44 : memref<40x128xf32, #tpu.memory_space<vmem_shared>>) target(%dma_start3A_42 : memref<40x128xf32, #tpu.memory_space<hbm>>) target_semaphore(%run_scoped3A : memref<!tpu.dma_semaphore, #tpu.memory_space<semaphore_mem>>)
        %dma_wait3A = arith.constant 0 : i32
        %dma_wait3A_45 = tpu.memref_slice %arg6[%arg0, %multiple_of3A, %dma_wait3A] : memref<2x10000x128xf32, #tpu.memory_space<hbm>> -> memref<1x40x128xf32, #tpu.memory_space<hbm>>
        %dma_wait3A_46 = tpu.memref_squeeze %dma_wait3A_45 : memref<1x40x128xf32, #tpu.memory_space<hbm>> -> memref<40x128xf32, #tpu.memory_space<hbm>>
        %dma_wait3A_47 = arith.constant 0 : i32
        %dma_wait3A_48 = tpu.memref_slice %arg12[%multiple_of3A, %dma_wait3A_47] : memref<10000x128xf32, #tpu.memory_space<vmem_shared>> -> memref<40x128xf32, #tpu.memory_space<vmem_shared>>
        tpu.wait_dma2 semaphore(%run_scoped3A : memref<!tpu.dma_semaphore, #tpu.memory_space<semaphore_mem>>) src(%dma_wait3A_48 : memref<40x128xf32, #tpu.memory_space<vmem_shared>>) dst(%dma_wait3A_46 : memref<40x128xf32, #tpu.memory_space<hbm>>)
        tpu.yield
      }) : () -> ()
    }
    %while3A_34 = arith.constant 1 : i32
    scf.for %while3A_35 = %while3A_32 to %while3A_28 step %while3A_34  : i32 {
      %mul3A_36 = arith.constant 16 : i32
      %mul3A_37 = arith.muli %while3A_35, %mul3A_36 : i32
      %add3A_38 = arith.addi %arg1, %mul3A_37 : i32
      %mul3A_39 = arith.constant 40 : i32
      %mul3A_40 = arith.muli %add3A_38, %mul3A_39 : i32
      %multiple_of3A = tpu.assume_multiple %mul3A_40, 8 : i32
      "tpu.region"() ({
        %run_scoped3A = tpu.sem_alloc : memref<!tpu.dma_semaphore, #tpu.memory_space<semaphore_mem>>
        %dma_start3A = arith.constant 0 : i32
        %dma_start3A_41 = tpu.memref_slice %arg6[%arg0, %multiple_of3A, %dma_start3A] : memref<2x10000x128xf32, #tpu.memory_space<hbm>> -> memref<1x40x128xf32, #tpu.memory_space<hbm>>
        %dma_start3A_42 = tpu.memref_squeeze %dma_start3A_41 : memref<1x40x128xf32, #tpu.memory_space<hbm>> -> memref<40x128xf32, #tpu.memory_space<hbm>>
        %dma_start3A_43 = arith.constant 0 : i32
        %dma_start3A_44 = tpu.memref_slice %arg12[%multiple_of3A, %dma_start3A_43] : memref<10000x128xf32, #tpu.memory_space<vmem_shared>> -> memref<40x128xf32, #tpu.memory_space<vmem_shared>>
        tpu.enqueue_dma source(%dma_start3A_44 : memref<40x128xf32, #tpu.memory_space<vmem_shared>>) target(%dma_start3A_42 : memref<40x128xf32, #tpu.memory_space<hbm>>) target_semaphore(%run_scoped3A : memref<!tpu.dma_semaphore, #tpu.memory_space<semaphore_mem>>)
        %dma_wait3A = arith.constant 0 : i32
        %dma_wait3A_45 = tpu.memref_slice %arg6[%arg0, %multiple_of3A, %dma_wait3A] : memref<2x10000x128xf32, #tpu.memory_space<hbm>> -> memref<1x40x128xf32, #tpu.memory_space<hbm>>
        %dma_wait3A_46 = tpu.memref_squeeze %dma_wait3A_45 : memref<1x40x128xf32, #tpu.memory_space<hbm>> -> memref<40x128xf32, #tpu.memory_space<hbm>>
        %dma_wait3A_47 = arith.constant 0 : i32
        %dma_wait3A_48 = tpu.memref_slice %arg12[%multiple_of3A, %dma_wait3A_47] : memref<10000x128xf32, #tpu.memory_space<vmem_shared>> -> memref<40x128xf32, #tpu.memory_space<vmem_shared>>
        tpu.wait_dma2 semaphore(%run_scoped3A : memref<!tpu.dma_semaphore, #tpu.memory_space<semaphore_mem>>) src(%dma_wait3A_48 : memref<40x128xf32, #tpu.memory_space<vmem_shared>>) dst(%dma_wait3A_46 : memref<40x128xf32, #tpu.memory_space<hbm>>)
        tpu.yield
      }) : () -> ()
    }
    return
  }
}

module attributes {stable_mosaic.version = 14 : i64} {
  func.func @_mm_body(%arg0: i32, %arg1: memref<2x2000x128xf32, #tpu.memory_space<vmem>>, %arg2: memref<128x128xf32, #tpu.memory_space<vmem>>, %arg3: memref<2000x128xf32, #tpu.memory_space<vmem>>) attributes {dimension_semantics = [#tpu.dimension_semantics<arbitrary>], iteration_bounds = array<i64: 5>, scalar_prefetch = 0 : i64, scratch_operands = 0 : i64, tpu.core_type = #tpu.core_type<tc>, window_params = [{transform_indices = @transform_0, window_bounds = array<i64: 2, 2000, 128>}, {pipeline_mode = #tpu.pipeline_mode<synchronous>, transform_indices = @transform_1, window_bounds = array<i64: 128, 128>}, {transform_indices = @transform_2, window_bounds = array<i64: 2000, 128>}]} {
    %get3A = arith.constant 0 : index
    %get3A_0 = arith.constant 0 : index
    %get3A_1 = arith.constant 0 : index
    %get3A_2 = vector.load %arg1[%get3A, %get3A_0, %get3A_1] : memref<2x2000x128xf32, #tpu.memory_space<vmem>>, vector<1x2000x128xf32>
    %get3A_3 = vector.shape_cast %get3A_2 : vector<1x2000x128xf32> to vector<2000x128xf32>
    %get3A_4 = arith.constant 1 : index
    %get3A_5 = arith.constant 0 : index
    %get3A_6 = arith.constant 0 : index
    %get3A_7 = vector.load %arg1[%get3A_4, %get3A_5, %get3A_6] : memref<2x2000x128xf32, #tpu.memory_space<vmem>>, vector<1x2000x128xf32>
    %get3A_8 = vector.shape_cast %get3A_7 : vector<1x2000x128xf32> to vector<2000x128xf32>
    %add3A = arith.addf %get3A_3, %get3A_8 : vector<2000x128xf32>
    %get3A_9 = arith.constant 0 : index
    %get3A_10 = arith.constant 0 : index
    %get3A_11 = vector.load %arg2[%get3A_9, %get3A_10] : memref<128x128xf32, #tpu.memory_space<vmem>>, vector<128x128xf32>
    %dot_general3A = arith.constant dense<0.000000e+00> : vector<2000x128xf32>
    %dot_general3A_12 = tpu.matmul %add3A, %get3A_11, %dot_general3A {dimension_numbers = #tpu.dot_dimension_numbers<[1], [0], [0], [1], [0, 0, 1, 1], [], []>, transpose_lhs_hint = false} : vector<2000x128xf32>, vector<128x128xf32>, vector<2000x128xf32> -> vector<2000x128xf32>
    %swap3A = arith.constant 0 : index
    %swap3A_13 = arith.constant 0 : index
    %swap3A_14 = vector.load %arg3[%swap3A, %swap3A_13] : memref<2000x128xf32, #tpu.memory_space<vmem>>, vector<2000x128xf32>
    tpu.vector_store %arg3[%swap3A, %swap3A_13], %dot_general3A_12 {strides = array<i32>} : memref<2000x128xf32, #tpu.memory_space<vmem>>, vector<2000x128xf32>,
    return
  }
  func.func @transform_0(%arg0: i32) -> (i32, i32, i32) {
    %c0_i32 = arith.constant 0 : i32
    %c0_i32_0 = arith.constant 0 : i32
    %c0_i32_1 = arith.constant 0 : i32
    return %c0_i32, %arg0, %c0_i32_0 : i32, i32, i32
  }
  func.func @transform_1(%arg0: i32) -> (i32, i32) {
    %c0_i32 = arith.constant 0 : i32
    %c0_i32_0 = arith.constant 0 : i32
    %c0_i32_1 = arith.constant 0 : i32
    return %c0_i32, %c0_i32_0 : i32, i32
  }
  func.func @transform_2(%arg0: i32) -> (i32, i32) {
    %c0_i32 = arith.constant 0 : i32
    %c0_i32_0 = arith.constant 0 : i32
    return %arg0, %c0_i32 : i32, i32
  }
}

</mosaic_0001>

<sc_bundles>
// kernel: kernel.4.cloned.1.call-start
scs
__scs_entry_jumppad:
0x0: {  	(pc) =	sbr.rel $0x88, $3  }
0x1: {  	(tag) =	ssettag $0x0;
	lr =	simm.s32 $0x1  }
0x2: {  	[smem:$0x3F9D] =	sst lr;
	_ =	strace $0xD0000000  }
0x3: {  	_ = 	snop  }
0x4: {  	_ = 	snop  }
0x5: {  	_ = 	snop  }
0x6: {  	_ = 	snop  }
0x7: {  	_ = 	snop  }
__scs_overlays_trampoline_lowered:
0x8: {  	[smem:$0x3FAC] =	sst s0  }
0x9: {  	[smem:$0x3FAD] =	sst s1  }
0xa: {  	[smem:$0x3FAE] =	sst s2  }
0xb: {  	[smem:$0x3FAF] =	sst s3  }
0xc: {  	[smem:$0x3FB0] =	sst s4  }
0xd: {  	[smem:$0x3FB1] =	sst s5  }
0xe: {  	[smem:$0x3FB2] =	sst s6  }
0xf: {  	[smem:$0x3FB3] =	sst s7  }
0x10: {  	[smem:$0x3FB4] =	sst s8  }
0x11: {  	[smem:$0x3FB5] =	sst s9;
	s0 =	simm.s32 @!p0 $0x0  }
0x12: {  	s1 =	sld [smem:$0x3F9B];
	s0 =	simm.s32 @p0 $0x1  }
0x13: {  	[smem:$0x3FB6] =	sst s0;
	s0 =	simm.s32 @!p1 $0x0  }
0x14: {  	s2 =	sld [smem:$0x3F9A];
	s0 =	simm.s32 @p1 $0x1  }
0x15: {  	[smem:$0x3FB7] =	sst s0;
	s0 =	simm.s32 @!p2 $0x0  }
0x16: {  	s3 =	sld [smem:$0x3FDB];
	s0 =	simm.s32 @p2 $0x1  }
0x17: {  	s4 =	simm.s32 $0x1BF5;
	[smem:$0x3FB9] =	sst s0  }
0x18: {  	s0 =	sld [smem:$0x3F9C];
	_ =	swait.ge [sflag:s4], $0x0  }
0x19: {  	s7 =	sld [smem:$0x3F9D]  }
0x1a: {  	s8 =	sadd.s32 $0xFFFFE003, lr  }
0x1b: {  	s9 =	sadd.s32 $0xFFFFFEF7, lr;
	s5 =	simm.s32 $0xFFFFFFFF;
	p2 =	slt.u32 s8, $0xFFFFF086  }
0x1c: {  	p1 =	slt.u32 s9, $0xF7A;
	s5 =	simm.s32 @!p2 $0x0  }
0x1d: {  	s5 =	simm.s32 @p1 $0x1;
	p0 =	seq.s32 s7, s2  }
0x1e: {  	s7 =	smul.u32 @!p0 $0xF7A, s2;
	p2 =	seq.s32 @!p0 s5, $0x0  }
0x1f: {  	s9 =	smul.u32 $0xF7A, s1;
	s8 =	simm.s32 @!p0 $0x1BF5;
	p2 =	por !p2, p0  }
0x20: {  	[sflag:s8] =	ssyncset.s32 @!p0 $0xFFFFF086;
	s6 =	sadd.s32 @!p0 s3, s7;
	s7 =	simm.s32 @!p0 $0x108  }
0x21: {  	s3 =	sadd.s32 s3, s9;
	s6 =	sadd.s32 @!p0 $0x88, s6;
	s7 =	simm.s32 @p2 $0x1082  }
0x22: {  	[simem:s7], [sflag:s8] =	dma.local @!p0 [hbm:s6], $0xF7A  }
0x23: {  	s9 =	sor.u32 $0xD0000000, s2;
	s6 =	simm.s32 $0x108;
	_ =	swait.ge @!p0 [sflag:s8], $0x0  }
0x24: {  	s3 =	sadd.s32 $0x88, s3;
	s6 =	simm.s32 @!p1 $0x1082;
	[sflag:s4] =	ssyncset.s32 $0xFFFFF086  }
0x25: {  	[simem:s6], [sflag:s4] =	dma.local [hbm:s3], $0xF7A  }
0x26: {  	[smem:$0x3F9D] =	sst s1;
	(tag) =	ssettag s2;
	_ =	strace s9  }
0x27: {  	s1 =	sld [smem:$0x3FAD]  }
0x28: {  	s2 =	sld [smem:$0x3FAE]  }
0x29: {  	s4 =	sld [smem:$0x3FB0]  }
0x2a: {  	p0 =	seq.s32 s5, $0x0;
	s5 =	sld [smem:$0x3FB1]  }
0x2b: {  	s6 =	sld [smem:$0x3FB2]  }
0x2c: {  	s7 =	sld [smem:$0x3FB3]  }
0x2d: {  	s3 =	simm.s32 $0x108;
	s8 =	sld [smem:$0x3FB4]  }
0x2e: {  	s3 =	simm.s32 @!p0 $0x1082;
	s9 =	sld [smem:$0x3FB5]  }
0x2f: {  	lr =	sadd.s32 s0, s3;
	s0 =	sld [smem:$0x3FAC]  }
0x30: {  	s3 =	sld [smem:$0x3FAF]  }
0x31: {  	[smem:$0x3FB8] =	sst s10  }
0x32: {  	s10 =	sld [smem:$0x3FB6];
	_ =	sdelay $0x3  }
0x33: {  	p0 =	seq.s32 s10, $0x1;
	s10 =	sld [smem:$0x3FB8];
	_ =	sdelay $0x3  }
0x34: {  	[smem:$0x3FB8] =	sst s10  }
0x35: {  	s10 =	sld [smem:$0x3FB7];
	_ =	sdelay $0x3  }
0x36: {  	p1 =	seq.s32 s10, $0x1;
	s10 =	sld [smem:$0x3FB8];
	_ =	sdelay $0x3  }
0x37: {  	[smem:$0x3FB8] =	sst s10  }
0x38: {  	s10 =	sld [smem:$0x3FB9]  }
0x39: {  	_ = 	snop;
	(pc) =	sbr.ind lr, $3  }
0x3a: {  	_ = 	snop  }
0x3b: {  	_ = 	snop  }
0x3c: {  	p2 =	seq.s32 s10, $0x1;
	s10 =	sld [smem:$0x3FB8]  }
0x3d: {  	_ =	shalt  }
0x3e: {  	_ =	shalt  }
0x3f: {  	_ =	shalt  }
0x40: {  	_ =	shalt  }
0x41: {  	_ =	shalt  }
0x42: {  	_ =	shalt  }
0x43: {  	_ =	shalt  }
0x44: {  	_ =	shalt  }
0x45: {  	_ =	shalt  }
0x46: {  	_ =	shalt  }
0x47: {  	_ =	shalt  }
0x48: {  	_ =	shalt  }
0x49: {  	_ =	shalt  }
0x4a: {  	_ =	shalt  }
0x4b: {  	_ =	shalt  }
0x4c: {  	_ =	shalt  }
0x4d: {  	_ =	shalt  }
0x4e: {  	_ =	shalt  }
0x4f: {  	_ =	shalt  }
0x50: {  	_ =	shalt  }
0x51: {  	_ =	shalt  }
0x52: {  	_ =	shalt  }
0x53: {  	_ =	shalt  }
0x54: {  	_ =	shalt  }
0x55: {  	_ =	shalt  }
0x56: {  	_ =	shalt  }
0x57: {  	_ =	shalt  }
0x58: {  	_ =	shalt  }
0x59: {  	_ =	shalt  }
0x5a: {  	_ =	shalt  }
0x5b: {  	_ =	shalt  }
0x5c: {  	_ =	shalt  }
0x5d: {  	_ =	shalt  }
0x5e: {  	_ =	shalt  }
0x5f: {  	_ =	shalt  }
0x60: {  	_ =	shalt  }
0x61: {  	_ =	shalt  }
0x62: {  	_ =	shalt  }
0x63: {  	_ =	shalt  }
0x64: {  	_ =	shalt  }
0x65: {  	_ =	shalt  }
0x66: {  	_ =	shalt  }
0x67: {  	_ =	shalt  }
0x68: {  	_ =	shalt  }
0x69: {  	_ =	shalt  }
0x6a: {  	_ =	shalt  }
0x6b: {  	_ =	shalt  }
0x6c: {  	_ =	shalt  }
0x6d: {  	_ =	shalt  }
0x6e: {  	_ =	shalt  }
0x6f: {  	_ =	shalt  }
0x70: {  	_ =	shalt  }
0x71: {  	_ =	shalt  }
0x72: {  	_ =	shalt  }
0x73: {  	_ =	shalt  }
0x74: {  	_ =	shalt  }
0x75: {  	_ =	shalt  }
0x76: {  	_ =	shalt  }
0x77: {  	_ =	shalt  }
0x78: {  	_ =	shalt  }
0x79: {  	_ =	shalt  }
0x7a: {  	_ =	shalt  }
0x7b: {  	_ =	shalt  }
0x7c: {  	_ =	shalt  }
0x7d: {  	_ =	shalt  }
0x7e: {  	_ =	shalt  }
0x7f: {  	_ =	shalt  }
0x80: {  	_ =	shalt  }
0x81: {  	_ =	shalt  }
0x82: {  	_ =	shalt  }
0x83: {  	_ =	shalt  }
0x84: {  	_ =	shalt  }
0x85: {  	_ =	shalt  }
0x86: {  	_ =	shalt  }
0x87: {  	_ =	shalt  }
.Lfunc_end0:
.L_simem_size_0:
called_computation_lowered:
.L_overlay_start_0:
0x88: {  	s2 =	sld [smem:$0x3FD9]  }
0x89: {  	s3 =	sld [smem:$0x3FFE];
	_ =	sdelay $0x1  }
0x8a: {  	s1 =	srdreg.scid  }
0x8b: {  	s0 =	sand.u32 $0x1, s1  }
0x8c: {  	s17 =	sshll.u32 s0, $0xA;
	s2 =	sadd.s32 s3, s2  }
0x8d: {  	s2 =	sadd.s32 s2, s17  }
0x8e: {  	[smem:$0x3FC4] =	sst s2  }
0x8f: {  	_ = 	snop  }
0x90: {  	s2 =	sld [smem:$0x3FC9]  }
0x91: {  	s18 =	sld [smem:$0x3FC7]  }
0x92: {  	s4 =	sld [smem:$0x3FD0];
	(tm) =	ssettm $0x1  }
0x93: {  	s5 =	sld [smem:$0x3FFB];
	_ =	sdelay $0x3  }
0x94: {  	_ =	strace s5  }
0x95: {  	s5 =	sld [smem:$0x3FFC];
	_ =	sdelay $0x3  }
0x96: {  	_ =	strace s5  }
0x97: {  	s5 =	sld [smem:$0x3FFD];
	_ =	sdelay $0x3  }
0x98: {  	_ =	strace s5  }
0x99: {  	_ =	strace $0x8FFFFFFF  }
0x9a: {  	s19 =	sld [smem:$0x3FDB];
	_ =	sdelay $0x1  }
0x9b: {  	s6 =	simm.s32 $_scs_section_size  }
0x9c: {  	s7 =	simm.s32 $_size__tile_overlayer_lowered;
	s8 =	simm.s32 $_tile_overlayer_lowered  }
0x9d: {  	s22 =	simm.s32 $0x1BFF;
	s21 =	sshll.u32 s8, $0x1;
	s5 =	sadd.s32 s6, s19  }
0x9e: {  	s9 =	simm.s32 $0x0;
	s20 =	sshll.u32 s7, $0x1;
	s7 =	sadd.s32 s21, s5  }
0x9f: {  	[timem:s9], [sflag:s22] =	dma.local [hbm:s7], s20  }
0xa0: {  	_ =	swait.ge [sflag:s22], s20  }
0xa1: {  	s6 =	ssub.s32 $0x0, s20;
	[sflag:s22] =	ssyncset.done $0x0  }
0xa2: {  	[sflag:s22] =	ssyncadd.s32 s6;
	_ =	sdelay $0x1  }
0xa3: {  	s23 =	simm.s32 $0x1B8B  }
0xa4: {  	_ =	swait.ge [sflag:s23], $0x1  }
0xa5: {  	[sflag:s23] =	ssyncset.done $0x0  }
0xa6: {  	s25 =	simm.s32 $0x1B8E;
	s24 =	sld [smem:$0x3FFE];
	[sflag:s23] =	ssyncadd.s32 $0xFFFFFFFF  }
0xa7: {  	s26 =	simm.s32 $execute0_lowered;
	[smem:$0x3FD2] =	sst s25  }
0xa8: {  	s7 =	sshll.u32 s26, $0x1;
	_ =	strace $0x80000046;
	[dreg:$0x1] =	wrdreg $0xFFFFFFFF  }
0xa9: {  	s28 =	simm.s32 $_size_execute0_lowered;
	s5 =	sadd.s32 s5, s7;
	[dreg:$0x0] =	wrdreg $0x0  }
0xaa: {  	s7 =	sshll.u32 s28, $0x1;
	[dreg:$0x2] =	wrdreg s5  }
0xab: {  	[dreg:$0x3] =	wrdreg s7  }
0xac: {  	[dreg:$0x4] =	wrdreg $0xC0  }
0xad: {  	_ =	task [dreg:s9], $0x5FFFF  }
0xae: {  	[dreg:$0x1] =	wrdreg $0xFFFFFFFF  }
0xaf: {  	[dreg:$0x0] =	wrdreg $0x60  }
0xb0: {  	[dreg:$0x2] =	wrdreg s2  }
0xb1: {  	[dreg:$0x3] =	wrdreg s24  }
0xb2: {  	[dreg:$0x4] =	wrdreg s4  }
0xb3: {  	[dreg:$0x5] =	wrdreg s18  }
0xb4: {  	[dreg:$0x6] =	wrdreg $0x3D800  }
0xb5: {  	[dreg:$0x7] =	wrdreg $0x9  }
0xb6: {  	_ =	task.clear_ibuf [dreg:s9], $0x8FFFF;
	_ =	strace $0x90000046  }
0xb7: {  	s29 =	simm.s32 $0x9;
	_ =	strace $0x80000048  }
0xb8: {  	_ =	swait.ge [sflag:s29], $0x1  }
0xb9: {  	[sflag:s29] =	ssyncadd.s32 $0xFFFFFFFF  }
0xba: {  	_ =	strace $0x90000048  }
0xbb: {  	_ =	sfence  }
0xbc: {  	s30 =	sld [smem:$0x0];
	_ =	sdelay $0x2  }
0xbd: {  	s31 =	sshll.u32 s1, $0xD;
	s1 =	sshrl.u32 s1, $0x2  }
0xbe: {  	s3 =	sand.u32 $0x4000, s31;
	s1 =	sadd.s32 s1, s30  }
0xbf: {  	s0 =	sor.u32 s3, s0;
	s1 =	sshll.u32 s1, $0x11  }
0xc0: {  	s0 =	sor.u32 s1, s0  }
0xc1: {  	s0 =	sadd.s32 $0x8F2B, s0  }
0xc2: {  	[sflag:s0] =	ssyncadd.remote.s32 $0x1  }
0xc3: {  	_ =	sfence.sel $0xFFFF  }
0xc4: {  	[dreg:$0x0] =	wrdreg $0xFFFFFFFF;
	(pc) =	sbr.abs _section_cstart, $3  }
0xc5: {  	[dreg:$0x1] =	wrdreg $0xFFFFFFFF  }
0xc6: {  	_ =	task.clear_ibuf [dreg:s9], $0x2FFFF;
	_ =	strace $0x9FFFFFFF  }
0xc7: {  	(tm) =	ssettm $0x7FFFFFFF  }
tec
execute0_lowered:
.L_overlay_start_1:
0x0: {  	(tag) =	ssettag $0x1  }
0x1: {  	s1 =	rddreg [dreg:$0x0]  }
0x2: {  	s2 =	rddreg [dreg:$0x1]  }
0x3: {  	s3 =	rddreg [dreg:$0x2]  }
0x4: {  	s4 =	rddreg [dreg:$0x3]  }
0x5: {  	s5 =	rddreg [dreg:$0x4]  }
0x6: {  	s0 =	rddreg [dreg:$0x5]  }
0x7: {  	s6 =	simm.s32 $0x0;
	s7 =	srdreg.scid;
	s15 =	simm.s32 $0x2  }
0x8: {  	s16 =	simm.s32 $0x80;
	s17 =	simm.s32 $0x100;
	s18 =	simm.s32 $0x50  }
0x9: {  	s19 =	simm.s32 $0x180;
	s20 =	simm.s32 $0x1;
	[smem:$0x7FF] =	sst s6  }
0xa: {  	s9 =	sand.u32 $0x1, s7;
	s8 =	sadd.s32 $0x9E00, s2;
	s7 =	stileid.u32  }
0xb: {  	v0 =	vimm.f32 $0.0e+00;
	v1 =	vimm.s32 $0x0;
	_ =	strace $0x80000047;
	s10 =	ssub.s32 $0x2, s9;
	s13 =	smul.u32 $0x138800, s9  }
0xc: {  	v2 =	vimm.s32 $0x1;
	v3 =	vimm.s32 $0x2;
	v4 =	vimm.s32 $0x3;
	s31 =	sshll.u32 s9, $0x4;
	p0 =	slt.u32 s7, $0xA;
	s12 =	smul.u32 $0x5000, s7  }
0xd: {  	v5 =	vimm.s32 $0x4;
	v6 =	vimm.s32 $0x5;
	v7 =	vimm.s32 $0x6;
	s9 =	simm.s32 $0x10;
	s14 =	smul.u32 $0x1400, s7;
	s11 =	sshrl.u32 s10, $0x1  }
0xe: {  	v8 =	vimm.s32 $0x7;
	v9 =	vimm.s32 $0x8;
	v10 =	vimm.s32 $0x9;
	s9 =	simm.s32 @!p0 $0xF;
	s11 =	ssub.s32 s10, s11;
	s10 =	sor.u32 s7, s31  }
0xf: {  	v11 =	vimm.s32 $0xA;
	v12 =	vimm.s32 $0xB;
	v13 =	vimm.s32 $0xC;
	s12 =	sshrl.u32 s12, $0x2;
	s13 =	sadd.s32 s14, s13;
	s14 =	simm.s32 $0x2980  }
0x10: {  	v14 =	vimm.s32 $0xD;
	v15 =	vimm.s32 $0xE;
	v16 =	vimm.s32 $0xF;
	s10 =	smul.u32 $0x2710, s10;
	s11 =	smax.u32 s11, $0x1;
	s12 =	sadd.s32 s12, s5  }
.LBB2_1:
0x11: {  	s21 =	simm.s32 $0x0;
	s22 =	simm.s32 $0x200  }
.LBB2_2:
0x12: {  	p0 =	sne.s32 s22, $0x4E00;
	[tilespmem:s21+$0x29F0] =	vst v0  }
0x13: {  	[tilespmem:s21+$0x2980] =	vst v0  }
0x14: {  	[tilespmem:s21+$0x2990] =	vst v0  }
.Ltmp0:
0x15: {  	[tilespmem:s21+$0x29A0] =	vst v0;
	(pc) =	sbr.rel @p0 .LBB2_2-.Ltmp0, $4  }
0x16: {  	[tilespmem:s21+$0x29B0] =	vst v0  }
0x17: {  	[tilespmem:s21+$0x29C0] =	vst v0  }
0x18: {  	[tilespmem:s21+$0x29D0] =	vst v0  }
0x19: {  	[tilespmem:s21+$0x29E0] =	vst v0;
	s21 =	sshra.s32 s22, $0x2;
	s22 =	sadd.s32 $0x200, s22  }
0x1a: {  	[tilespmem:s21+$0x29F0] =	vst v0  }
0x1b: {  	[tilespmem:s21+$0x2980] =	vst v0  }
0x1c: {  	[tilespmem:s21+$0x2990] =	vst v0  }
0x1d: {  	[tilespmem:s21+$0x29A0] =	vst v0  }
0x1e: {  	[tilespmem:s21+$0x29B0] =	vst v0  }
0x1f: {  	[tilespmem:s21+$0x29C0] =	vst v0;
	p0 =	sne.s32 s9, $0x1  }
.Ltmp1:
0x20: {  	[tilespmem:s21+$0x29D0] =	vst v0;
	(pc) =	sbr.rel @!p0 .LBB2_5-.Ltmp1, $4  }
0x21: {  	[tilespmem:s21+$0x29E0] =	vst v0  }
0x22: {  	[spmem:s12] =	stream.linear.scatter [tilespmem:s14], [sflag:$0x2], $0x1400, $0x38;
	[tilespmem:$0x17600] =	vst v63  }
0x23: {  	_ =	swait.ge [sflag:s15], $0x1400  }
0x24: {  	s21 =	sadd.s32 $0xFFFFFFFF, s9;
	s22 =	smov.u32 s12;
	[sflag:s15] =	ssyncset.done $0x0  }
.LBB2_4:
0x25: {  	p1 =	sne.s32 s21, $0x1;
	[sflag:s15] =	ssyncadd.s32 $0xFFFFEC00;
	s22 =	sadd.s32 $0x14000, s22  }
.Ltmp2:
0x26: {  	s21 =	sadd.s32 $0xFFFFFFFF, s21;
	(pc) =	sbr.rel @p1 .LBB2_4-.Ltmp2, $4  }
0x27: {  	_ = 	snop  }
0x28: {  	[spmem:s22] =	stream.linear.scatter [tilespmem:s14], [sflag:$0x2], $0x1400, $0x38;
	[tilespmem:$0x17600] =	vst v63  }
0x29: {  	_ =	swait.ge [sflag:s15], $0x1400  }
0x2a: {  	[sflag:s15] =	ssyncset.done $0x0  }
.LBB2_5:
0x2b: {  	[sflag:s15] =	ssyncadd.s32 $0xFFFFEC00  }
0x2c: {  	s21 =	simm.s32 $0x0;
	s22 =	simm.s32 $0x0;
	[bflag:$0x0] =	sbarrier.arrive $0xFFFF  }
.LBB2_6:
0x2d: {  	s23 =	smul.u32 $0x50, s22;
	_ =	sdelay $0x1  }
0x2e: {  	s23 =	sadd.s32 s10, s23  }
0x2f: {  	s23 =	sshrl.u32 s23, $0x3  }
0x30: {  	s24 =	sadd.s32 s2, s23  }
0x31: {  	[tilespmem:s21], [sflag:$0x2] =	stream.linear.gather [hbm4b:s24+s21], $0x50, $0x38;
	[tilespmem:$0x17600] =	vst v63  }
0x32: {  	_ =	swait.ge [sflag:s15], $0x50  }
0x33: {  	[sflag:s15] =	ssyncset.done $0x0  }
0x34: {  	s31 =	sadd.s32 s3, s23;
	[sflag:s15] =	ssyncadd.s32 $0xFFFFFFB0  }
0x35: {  	[tilespmem:s16], [sflag:$0x2] =	stream.linear.gather [hbm4b:s31+s21], $0x50, $0x38;
	[tilespmem:$0x17600] =	vst v63  }
0x36: {  	_ =	swait.ge [sflag:s15], $0x50  }
0x37: {  	[sflag:s15] =	ssyncset.done $0x0  }
0x38: {  	s23 =	sadd.s32 s4, s23;
	[sflag:s15] =	ssyncadd.s32 $0xFFFFFFB0  }
0x39: {  	[tilespmem:s17], [sflag:$0x2] =	stream.linear.gather [hbm4b:s23+s21], $0x50, $0x38;
	[tilespmem:$0x17600] =	vst v63  }
0x3a: {  	_ =	swait.ge [sflag:s15], $0x50  }
0x3b: {  	[sflag:s15] =	ssyncset.done $0x0  }
0x3c: {  	[sflag:s15] =	ssyncadd.s32 $0xFFFFFFB0  }
0x3d: {  	[tilespmem:s19], [sflag:$0x1] =	stream.indirect.gather [hbm4b:s1+s18], $0x80, s21, s18, $0xb8;
	[tilespmem:$0x17600] =	vst v63  }
0x3e: {  	_ =	swait.ge [sflag:s20], $0x2800  }
0x3f: {  	[sflag:s20] =	ssyncset.done $0x0  }
0x40: {  	s23 =	simm.s32 $0x0;
	[sflag:s20] =	ssyncadd.s32 $0xFFFFD800  }
.LBB2_7:
0x41: {  	s24 =	sshll.u32 s23, $0x4  }
0x42: {  	s24 =	sand.u32 $0x3FFFFFF0, s24  }
0x43: {  	s31 =	sshll.u32 s23, $0xB;
	v17 =	vld [tilespmem:s24+$0x100]  }
0x44: {  	s24 =	sand.u32 $0x3FFFF800, s31  }
0x45: {  	v18 =	vld [tilespmem:s24+$0x180]  }
0x46: {  	v19 =	vld [tilespmem:s24+$0x190]  }
0x47: {  	v20 =	vld [tilespmem:s24+$0x1A0]  }
0x48: {  	v22 =	vld [tilespmem:s24+$0x1B0];
	v21 =	vperm.xlane v17, v1  }
0x49: {  	v23 =	vld [tilespmem:s24+$0x1C0]  }
0x4a: {  	v24 =	vld [tilespmem:s24+$0x1D0];
	v18 =	vmul.f32 v18, v21  }
0x4b: {  	v25 =	vld [tilespmem:s24+$0x1E0];
	v19 =	vmul.f32 v19, v21  }
0x4c: {  	v38 =	vld [tilespmem:s24+$0x1F0];
	[tilespmem:s24+$0x180] =	vst v18;
	v18 =	vmul.f32 v20, v21  }
0x4d: {  	v39 =	vld [tilespmem:s24+$0x200];
	[tilespmem:s24+$0x190] =	vst v19;
	v19 =	vmul.f32 v22, v21  }
0x4e: {  	v40 =	vld [tilespmem:s24+$0x210];
	[tilespmem:s24+$0x1A0] =	vst v18;
	v18 =	vmul.f32 v23, v21  }
0x4f: {  	v41 =	vld [tilespmem:s24+$0x220];
	[tilespmem:s24+$0x1B0] =	vst v19;
	v19 =	vmul.f32 v24, v21  }
0x50: {  	v26 =	vld [tilespmem:s24+$0x230];
	v42 =	vperm.xlane v17, v2;
	[tilespmem:s24+$0x1C0] =	vst v18;
	v18 =	vmul.f32 v25, v21  }
0x51: {  	v43 =	vld [tilespmem:s24+$0x240];
	[tilespmem:s24+$0x1D0] =	vst v19;
	v19 =	vmul.f32 v38, v21  }
0x52: {  	v44 =	vld [tilespmem:s24+$0x250];
	[tilespmem:s24+$0x1E0] =	vst v18;
	v18 =	vmul.f32 v39, v42  }
0x53: {  	v45 =	vld [tilespmem:s24+$0x260];
	[tilespmem:s24+$0x1F0] =	vst v19;
	v19 =	vmul.f32 v40, v42  }
0x54: {  	v46 =	vld [tilespmem:s24+$0x270];
	[tilespmem:s24+$0x200] =	vst v18;
	v18 =	vmul.f32 v41, v42  }
0x55: {  	v47 =	vld [tilespmem:s24+$0x280];
	[tilespmem:s24+$0x210] =	vst v19;
	v19 =	vmul.f32 v26, v42  }
0x56: {  	v48 =	vld [tilespmem:s24+$0x290];
	[tilespmem:s24+$0x220] =	vst v18;
	v18 =	vmul.f32 v43, v42  }
0x57: {  	v49 =	vld [tilespmem:s24+$0x2A0];
	[tilespmem:s24+$0x230] =	vst v19;
	v19 =	vmul.f32 v44, v42  }
0x58: {  	v51 =	vld [tilespmem:s24+$0x2B0];
	v50 =	vperm.xlane v17, v3;
	[tilespmem:s24+$0x240] =	vst v18;
	v18 =	vmul.f32 v45, v42  }
0x59: {  	v52 =	vld [tilespmem:s24+$0x2C0];
	[tilespmem:s24+$0x250] =	vst v19;
	v19 =	vmul.f32 v46, v42  }
0x5a: {  	v53 =	vld [tilespmem:s24+$0x2D0];
	[tilespmem:s24+$0x260] =	vst v18;
	v18 =	vmul.f32 v47, v50  }
0x5b: {  	v54 =	vld [tilespmem:s24+$0x2E0];
	[tilespmem:s24+$0x270] =	vst v19;
	v19 =	vmul.f32 v48, v50  }
0x5c: {  	v55 =	vld [tilespmem:s24+$0x2F0];
	[tilespmem:s24+$0x280] =	vst v18;
	v18 =	vmul.f32 v49, v50  }
0x5d: {  	v56 =	vld [tilespmem:s24+$0x300];
	[tilespmem:s24+$0x290] =	vst v19;
	v19 =	vmul.f32 v51, v50  }
0x5e: {  	v57 =	vld [tilespmem:s24+$0x310];
	[tilespmem:s24+$0x2A0] =	vst v18;
	v18 =	vmul.f32 v52, v50  }
0x5f: {  	v58 =	vld [tilespmem:s24+$0x320];
	[tilespmem:s24+$0x2B0] =	vst v19;
	v19 =	vmul.f32 v53, v50  }
0x60: {  	v60 =	vld [tilespmem:s24+$0x330];
	v59 =	vperm.xlane v17, v4;
	[tilespmem:s24+$0x2C0] =	vst v18;
	v18 =	vmul.f32 v54, v50  }
0x61: {  	v61 =	vld [tilespmem:s24+$0x340];
	[tilespmem:s24+$0x2D0] =	vst v19;
	v19 =	vmul.f32 v55, v50  }
0x62: {  	v62 =	vld [tilespmem:s24+$0x350];
	[tilespmem:s24+$0x2E0] =	vst v18;
	v18 =	vmul.f32 v56, v59  }
0x63: {  	v63 =	vld [tilespmem:s24+$0x360];
	[tilespmem:s24+$0x2F0] =	vst v19;
	v19 =	vmul.f32 v57, v59  }
0x64: {  	v28 =	vld [tilespmem:s24+$0x370];
	[tilespmem:s24+$0x300] =	vst v18;
	v18 =	vmul.f32 v58, v59  }
0x65: {  	v29 =	vld [tilespmem:s24+$0x380];
	[tilespmem:s24+$0x310] =	vst v19;
	v19 =	vmul.f32 v60, v59  }
0x66: {  	v30 =	vld [tilespmem:s24+$0x390];
	[tilespmem:s24+$0x320] =	vst v18;
	v18 =	vmul.f32 v61, v59  }
0x67: {  	v31 =	vld [tilespmem:s24+$0x3A0];
	[tilespmem:s24+$0x330] =	vst v19;
	v19 =	vmul.f32 v62, v59  }
0x68: {  	v33 =	vld [tilespmem:s24+$0x3B0];
	v32 =	vperm.xlane v17, v5;
	[tilespmem:s24+$0x340] =	vst v18;
	v18 =	vmul.f32 v63, v59  }
0x69: {  	v34 =	vld [tilespmem:s24+$0x3C0];
	[tilespmem:s24+$0x350] =	vst v19;
	v19 =	vmul.f32 v28, v59  }
0x6a: {  	v35 =	vld [tilespmem:s24+$0x3D0];
	[tilespmem:s24+$0x360] =	vst v18;
	v18 =	vmul.f32 v29, v32  }
0x6b: {  	v36 =	vld [tilespmem:s24+$0x3E0];
	[tilespmem:s24+$0x370] =	vst v19;
	v19 =	vmul.f32 v30, v32  }
0x6c: {  	v37 =	vld [tilespmem:s24+$0x3F0];
	[tilespmem:s24+$0x380] =	vst v18;
	v18 =	vmul.f32 v31, v32  }
0x6d: {  	v38 =	vld [tilespmem:s24+$0x400];
	[tilespmem:s24+$0x390] =	vst v19;
	v19 =	vmul.f32 v33, v32  }
0x6e: {  	v39 =	vld [tilespmem:s24+$0x410];
	[tilespmem:s24+$0x3A0] =	vst v18;
	v18 =	vmul.f32 v34, v32  }
0x6f: {  	v40 =	vld [tilespmem:s24+$0x420];
	[tilespmem:s24+$0x3B0] =	vst v19;
	v19 =	vmul.f32 v35, v32  }
0x70: {  	v41 =	vperm.xlane v17, v6;
	v42 =	vld [tilespmem:s24+$0x430];
	[tilespmem:s24+$0x3C0] =	vst v18;
	v18 =	vmul.f32 v36, v32  }
0x71: {  	v43 =	vld [tilespmem:s24+$0x440];
	[tilespmem:s24+$0x3D0] =	vst v19;
	v19 =	vmul.f32 v37, v32  }
0x72: {  	v44 =	vld [tilespmem:s24+$0x450];
	[tilespmem:s24+$0x3E0] =	vst v18;
	v18 =	vmul.f32 v38, v41  }
0x73: {  	v45 =	vld [tilespmem:s24+$0x460];
	[tilespmem:s24+$0x3F0] =	vst v19;
	v19 =	vmul.f32 v39, v41  }
0x74: {  	v46 =	vld [tilespmem:s24+$0x470];
	[tilespmem:s24+$0x400] =	vst v18;
	v18 =	vmul.f32 v40, v41  }
0x75: {  	v47 =	vld [tilespmem:s24+$0x480];
	[tilespmem:s24+$0x410] =	vst v19;
	v19 =	vmul.f32 v42, v41  }
0x76: {  	v48 =	vld [tilespmem:s24+$0x490];
	[tilespmem:s24+$0x420] =	vst v18;
	v18 =	vmul.f32 v43, v41  }
0x77: {  	v49 =	vld [tilespmem:s24+$0x4A0];
	[tilespmem:s24+$0x430] =	vst v19;
	v19 =	vmul.f32 v44, v41  }
0x78: {  	v51 =	vld [tilespmem:s24+$0x4B0];
	v50 =	vperm.xlane v17, v7;
	[tilespmem:s24+$0x440] =	vst v18;
	v18 =	vmul.f32 v45, v41  }
0x79: {  	v52 =	vld [tilespmem:s24+$0x4C0];
	[tilespmem:s24+$0x450] =	vst v19;
	v19 =	vmul.f32 v46, v41  }
0x7a: {  	v53 =	vld [tilespmem:s24+$0x4D0];
	[tilespmem:s24+$0x460] =	vst v18;
	v18 =	vmul.f32 v47, v50  }
0x7b: {  	v54 =	vld [tilespmem:s24+$0x4E0];
	[tilespmem:s24+$0x470] =	vst v19;
	v19 =	vmul.f32 v48, v50  }
0x7c: {  	v55 =	vld [tilespmem:s24+$0x4F0];
	[tilespmem:s24+$0x480] =	vst v18;
	v18 =	vmul.f32 v49, v50  }
0x7d: {  	v56 =	vld [tilespmem:s24+$0x500];
	[tilespmem:s24+$0x490] =	vst v19;
	v19 =	vmul.f32 v51, v50  }
0x7e: {  	v57 =	vld [tilespmem:s24+$0x510];
	[tilespmem:s24+$0x4A0] =	vst v18;
	v18 =	vmul.f32 v52, v50  }
0x7f: {  	v58 =	vld [tilespmem:s24+$0x520];
	[tilespmem:s24+$0x4B0] =	vst v19;
	v19 =	vmul.f32 v53, v50  }
0x80: {  	v60 =	vld [tilespmem:s24+$0x530];
	v59 =	vperm.xlane v17, v8;
	[tilespmem:s24+$0x4C0] =	vst v18;
	v18 =	vmul.f32 v54, v50  }
0x81: {  	v61 =	vld [tilespmem:s24+$0x540];
	[tilespmem:s24+$0x4D0] =	vst v19;
	v19 =	vmul.f32 v55, v50  }
0x82: {  	v62 =	vld [tilespmem:s24+$0x550];
	[tilespmem:s24+$0x4E0] =	vst v18;
	v18 =	vmul.f32 v56, v59  }
0x83: {  	v63 =	vld [tilespmem:s24+$0x560];
	[tilespmem:s24+$0x4F0] =	vst v19;
	v19 =	vmul.f32 v57, v59  }
0x84: {  	v28 =	vld [tilespmem:s24+$0x570];
	[tilespmem:s24+$0x500] =	vst v18;
	v18 =	vmul.f32 v58, v59  }
0x85: {  	v29 =	vld [tilespmem:s24+$0x580];
	[tilespmem:s24+$0x510] =	vst v19;
	v19 =	vmul.f32 v60, v59  }
0x86: {  	v30 =	vld [tilespmem:s24+$0x590];
	[tilespmem:s24+$0x520] =	vst v18;
	v18 =	vmul.f32 v61, v59  }
0x87: {  	v31 =	vld [tilespmem:s24+$0x5A0];
	[tilespmem:s24+$0x530] =	vst v19;
	v19 =	vmul.f32 v62, v59  }
0x88: {  	v33 =	vld [tilespmem:s24+$0x5B0];
	v32 =	vperm.xlane v17, v9;
	[tilespmem:s24+$0x540] =	vst v18;
	v18 =	vmul.f32 v63, v59  }
0x89: {  	v34 =	vld [tilespmem:s24+$0x5C0];
	[tilespmem:s24+$0x550] =	vst v19;
	v19 =	vmul.f32 v28, v59  }
0x8a: {  	v35 =	vld [tilespmem:s24+$0x5D0];
	[tilespmem:s24+$0x560] =	vst v18;
	v18 =	vmul.f32 v29, v32  }
0x8b: {  	v36 =	vld [tilespmem:s24+$0x5E0];
	[tilespmem:s24+$0x570] =	vst v19;
	v19 =	vmul.f32 v30, v32  }
0x8c: {  	v37 =	vld [tilespmem:s24+$0x5F0];
	[tilespmem:s24+$0x580] =	vst v18;
	v18 =	vmul.f32 v31, v32  }
0x8d: {  	v38 =	vld [tilespmem:s24+$0x600];
	[tilespmem:s24+$0x590] =	vst v19;
	v19 =	vmul.f32 v33, v32  }
0x8e: {  	v39 =	vld [tilespmem:s24+$0x610];
	[tilespmem:s24+$0x5A0] =	vst v18;
	v18 =	vmul.f32 v34, v32  }
0x8f: {  	v40 =	vld [tilespmem:s24+$0x620];
	[tilespmem:s24+$0x5B0] =	vst v19;
	v19 =	vmul.f32 v35, v32  }
0x90: {  	v42 =	vld [tilespmem:s24+$0x630];
	v41 =	vperm.xlane v17, v10;
	[tilespmem:s24+$0x5C0] =	vst v18;
	v18 =	vmul.f32 v36, v32  }
0x91: {  	v43 =	vld [tilespmem:s24+$0x640];
	[tilespmem:s24+$0x5D0] =	vst v19;
	v19 =	vmul.f32 v37, v32  }
0x92: {  	v44 =	vld [tilespmem:s24+$0x650];
	[tilespmem:s24+$0x5E0] =	vst v18;
	v18 =	vmul.f32 v38, v41  }
0x93: {  	v45 =	vld [tilespmem:s24+$0x660];
	[tilespmem:s24+$0x5F0] =	vst v19;
	v19 =	vmul.f32 v39, v41  }
0x94: {  	v46 =	vld [tilespmem:s24+$0x670];
	[tilespmem:s24+$0x600] =	vst v18;
	v18 =	vmul.f32 v40, v41  }
0x95: {  	v47 =	vld [tilespmem:s24+$0x680];
	[tilespmem:s24+$0x610] =	vst v19;
	v19 =	vmul.f32 v42, v41  }
0x96: {  	v48 =	vld [tilespmem:s24+$0x690];
	[tilespmem:s24+$0x620] =	vst v18;
	v18 =	vmul.f32 v43, v41  }
0x97: {  	v49 =	vld [tilespmem:s24+$0x6A0];
	[tilespmem:s24+$0x630] =	vst v19;
	v19 =	vmul.f32 v44, v41  }
0x98: {  	v51 =	vld [tilespmem:s24+$0x6B0];
	v50 =	vperm.xlane v17, v11;
	[tilespmem:s24+$0x640] =	vst v18;
	v18 =	vmul.f32 v45, v41  }
0x99: {  	v52 =	vld [tilespmem:s24+$0x6C0];
	[tilespmem:s24+$0x650] =	vst v19;
	v19 =	vmul.f32 v46, v41  }
0x9a: {  	v53 =	vld [tilespmem:s24+$0x6D0];
	[tilespmem:s24+$0x660] =	vst v18;
	v18 =	vmul.f32 v47, v50  }
0x9b: {  	v54 =	vld [tilespmem:s24+$0x6E0];
	[tilespmem:s24+$0x670] =	vst v19;
	v19 =	vmul.f32 v48, v50  }
0x9c: {  	v55 =	vld [tilespmem:s24+$0x6F0];
	[tilespmem:s24+$0x680] =	vst v18;
	v18 =	vmul.f32 v49, v50  }
0x9d: {  	v56 =	vld [tilespmem:s24+$0x700];
	[tilespmem:s24+$0x690] =	vst v19;
	v19 =	vmul.f32 v51, v50  }
0x9e: {  	v57 =	vld [tilespmem:s24+$0x710];
	[tilespmem:s24+$0x6A0] =	vst v18;
	v18 =	vmul.f32 v52, v50  }
0x9f: {  	v58 =	vld [tilespmem:s24+$0x720];
	[tilespmem:s24+$0x6B0] =	vst v19;
	v19 =	vmul.f32 v53, v50  }
0xa0: {  	v60 =	vld [tilespmem:s24+$0x730];
	v59 =	vperm.xlane v17, v12;
	[tilespmem:s24+$0x6C0] =	vst v18;
	v18 =	vmul.f32 v54, v50  }
0xa1: {  	v61 =	vld [tilespmem:s24+$0x740];
	[tilespmem:s24+$0x6D0] =	vst v19;
	v19 =	vmul.f32 v55, v50  }
0xa2: {  	v62 =	vld [tilespmem:s24+$0x750];
	[tilespmem:s24+$0x6E0] =	vst v18;
	v18 =	vmul.f32 v56, v59  }
0xa3: {  	v63 =	vld [tilespmem:s24+$0x760];
	[tilespmem:s24+$0x6F0] =	vst v19;
	v19 =	vmul.f32 v57, v59  }
0xa4: {  	v28 =	vld [tilespmem:s24+$0x770];
	[tilespmem:s24+$0x700] =	vst v18;
	v18 =	vmul.f32 v58, v59  }
0xa5: {  	v29 =	vld [tilespmem:s24+$0x780];
	[tilespmem:s24+$0x710] =	vst v19;
	v19 =	vmul.f32 v60, v59  }
0xa6: {  	v30 =	vld [tilespmem:s24+$0x790];
	[tilespmem:s24+$0x720] =	vst v18;
	v18 =	vmul.f32 v61, v59  }
0xa7: {  	v31 =	vld [tilespmem:s24+$0x7A0];
	[tilespmem:s24+$0x730] =	vst v19;
	v19 =	vmul.f32 v62, v59  }
0xa8: {  	v33 =	vld [tilespmem:s24+$0x7B0];
	v32 =	vperm.xlane v17, v13;
	[tilespmem:s24+$0x740] =	vst v18;
	v18 =	vmul.f32 v63, v59  }
0xa9: {  	v34 =	vld [tilespmem:s24+$0x7C0];
	[tilespmem:s24+$0x750] =	vst v19;
	v19 =	vmul.f32 v28, v59  }
0xaa: {  	v35 =	vld [tilespmem:s24+$0x7D0];
	[tilespmem:s24+$0x760] =	vst v18;
	v18 =	vmul.f32 v29, v32  }
0xab: {  	v36 =	vld [tilespmem:s24+$0x7E0];
	[tilespmem:s24+$0x770] =	vst v19;
	v19 =	vmul.f32 v30, v32  }
0xac: {  	v37 =	vld [tilespmem:s24+$0x7F0];
	[tilespmem:s24+$0x780] =	vst v18;
	v18 =	vmul.f32 v31, v32  }
0xad: {  	v38 =	vld [tilespmem:s24+$0x800];
	[tilespmem:s24+$0x790] =	vst v19;
	v19 =	vmul.f32 v33, v32  }
0xae: {  	v39 =	vld [tilespmem:s24+$0x810];
	[tilespmem:s24+$0x7A0] =	vst v18;
	v18 =	vmul.f32 v34, v32  }
0xaf: {  	v40 =	vld [tilespmem:s24+$0x820];
	[tilespmem:s24+$0x7B0] =	vst v19;
	v19 =	vmul.f32 v35, v32  }
0xb0: {  	v42 =	vld [tilespmem:s24+$0x830];
	v41 =	vperm.xlane v17, v14;
	[tilespmem:s24+$0x7C0] =	vst v18;
	v18 =	vmul.f32 v36, v32  }
0xb1: {  	v43 =	vld [tilespmem:s24+$0x840];
	[tilespmem:s24+$0x7D0] =	vst v19;
	v19 =	vmul.f32 v37, v32  }
0xb2: {  	v44 =	vld [tilespmem:s24+$0x850];
	[tilespmem:s24+$0x7E0] =	vst v18;
	v18 =	vmul.f32 v38, v41  }
0xb3: {  	v45 =	vld [tilespmem:s24+$0x860];
	[tilespmem:s24+$0x7F0] =	vst v19;
	v19 =	vmul.f32 v39, v41  }
0xb4: {  	v46 =	vld [tilespmem:s24+$0x870];
	[tilespmem:s24+$0x800] =	vst v18;
	v18 =	vmul.f32 v40, v41  }
0xb5: {  	v47 =	vld [tilespmem:s24+$0x880];
	[tilespmem:s24+$0x810] =	vst v19;
	v19 =	vmul.f32 v42, v41  }
0xb6: {  	v48 =	vld [tilespmem:s24+$0x890];
	[tilespmem:s24+$0x820] =	vst v18;
	v18 =	vmul.f32 v43, v41  }
0xb7: {  	v49 =	vld [tilespmem:s24+$0x8A0];
	[tilespmem:s24+$0x830] =	vst v19;
	v19 =	vmul.f32 v44, v41  }
0xb8: {  	v51 =	vld [tilespmem:s24+$0x8B0];
	v50 =	vperm.xlane v17, v15;
	[tilespmem:s24+$0x840] =	vst v18;
	v18 =	vmul.f32 v45, v41  }
0xb9: {  	v52 =	vld [tilespmem:s24+$0x8C0];
	[tilespmem:s24+$0x850] =	vst v19;
	v19 =	vmul.f32 v46, v41  }
0xba: {  	v53 =	vld [tilespmem:s24+$0x8D0];
	[tilespmem:s24+$0x860] =	vst v18;
	v18 =	vmul.f32 v47, v50  }
0xbb: {  	v54 =	vld [tilespmem:s24+$0x8E0];
	[tilespmem:s24+$0x870] =	vst v19;
	v19 =	vmul.f32 v48, v50  }
0xbc: {  	v55 =	vld [tilespmem:s24+$0x8F0];
	[tilespmem:s24+$0x880] =	vst v18;
	v18 =	vmul.f32 v49, v50  }
0xbd: {  	v56 =	vld [tilespmem:s24+$0x900];
	[tilespmem:s24+$0x890] =	vst v19;
	v19 =	vmul.f32 v51, v50  }
0xbe: {  	v57 =	vld [tilespmem:s24+$0x910];
	[tilespmem:s24+$0x8A0] =	vst v18;
	v18 =	vmul.f32 v52, v50  }
0xbf: {  	v58 =	vld [tilespmem:s24+$0x920];
	[tilespmem:s24+$0x8B0] =	vst v19;
	v19 =	vmul.f32 v53, v50  }
0xc0: {  	v17 =	vperm.xlane v17, v16;
	v59 =	vld [tilespmem:s24+$0x930];
	[tilespmem:s24+$0x8C0] =	vst v18;
	v18 =	vmul.f32 v54, v50  }
0xc1: {  	v60 =	vld [tilespmem:s24+$0x940];
	[tilespmem:s24+$0x8D0] =	vst v19;
	v19 =	vmul.f32 v55, v50  }
0xc2: {  	v61 =	vld [tilespmem:s24+$0x950];
	[tilespmem:s24+$0x8E0] =	vst v18;
	v18 =	vmul.f32 v56, v17  }
0xc3: {  	v62 =	vld [tilespmem:s24+$0x960];
	[tilespmem:s24+$0x8F0] =	vst v19;
	v19 =	vmul.f32 v57, v17  }
0xc4: {  	v63 =	vld [tilespmem:s24+$0x970];
	[tilespmem:s24+$0x900] =	vst v18;
	v18 =	vmul.f32 v58, v17  }
0xc5: {  	[tilespmem:s24+$0x910] =	vst v19;
	v19 =	vmul.f32 v59, v17  }
0xc6: {  	p1 =	sne.s32 s23, $0x4;
	[tilespmem:s24+$0x920] =	vst v18;
	v18 =	vmul.f32 v60, v17  }
.Ltmp3:
0xc7: {  	[tilespmem:s24+$0x930] =	vst v19;
	v19 =	vmul.f32 v61, v17;
	(pc) =	sbr.rel @p1 .LBB2_7-.Ltmp3, $4  }
0xc8: {  	[tilespmem:s24+$0x940] =	vst v18;
	v18 =	vmul.f32 v62, v17  }
0xc9: {  	[tilespmem:s24+$0x950] =	vst v19;
	v17 =	vmul.f32 v63, v17  }
0xca: {  	[tilespmem:s24+$0x960] =	vst v18  }
0xcb: {  	s23 =	sadd.s32 $0x1, s23;
	[tilespmem:s24+$0x970] =	vst v17  }
0xcc: {  	s22 =	sadd.s32 $0x1, s22  }
0xcd: {  	p1 =	sne.s32 s22, $0x7D  }
.Ltmp4:
0xce: {  	_ = 	snop;
	(pc) =	sbr.rel @p1 .LBB2_6-.Ltmp4, $4  }
0xcf: {  	[spmem:s5] =	stream.indirect.scatter.add.f32 [tilespmem:s19], [sflag:$0x2], $0x80, s16, s18, $0xb8;
	[tilespmem:$0x17600] =	vst v63  }
0xd0: {  	_ =	swait.ge [sflag:s15], $0x2800  }
0xd1: {  	[sflag:s15] =	ssyncset.done $0x0  }
0xd2: {  	[sflag:s15] =	ssyncadd.s32 $0xFFFFD800  }
.Ltmp5:
0xd3: {  	(pc) =	sbr.rel @!p0 .LBB2_11-.Ltmp5, $4  }
0xd4: {  	[bflag:$0x0] =	sbarrier.arrive $0xFFFF;
	s21 =	sshll.u32 s7, $0x6;
	s22 =	sshrl.u32 s13, $0x3  }
0xd5: {  	s23 =	sshrl.u32 s12, $0x3;
	s22 =	sadd.s32 s8, s22;
	s21 =	sor.u32 $0x1C02, s21  }
0xd6: {  	[hbm:s22], [sflag:s21] =	dma.local [spmem:s23], $0x280  }
0xd7: {  	s24 =	smov.u32 s12;
	s22 =	sadd.s32 $0xFFFFFFFF, s9;
	s23 =	sadd.s32 $0x14000, s13  }
.LBB2_10:
0xd8: {  	_ =	swait.ge [sflag:s15], $0x280  }
0xd9: {  	s24 =	sadd.s32 $0x14000, s24;
	s25 =	sshrl.u32 s23, $0x3;
	p0 =	sne.s32 s22, $0x1  }
.Ltmp6:
0xda: {  	s26 =	sshrl.u32 s24, $0x3;
	[sflag:s15] =	ssyncset.done $0x0;
	(pc) =	sbr.rel @p0 .LBB2_10-.Ltmp6, $4  }
0xdb: {  	s25 =	sadd.s32 s8, s25;
	[sflag:s15] =	ssyncadd.s32 $0xFFFFFD80  }
0xdc: {  	[hbm:s25], [sflag:s21] =	dma.local [spmem:s26], $0x280  }
0xdd: {  	s22 =	sadd.s32 $0xFFFFFFFF, s22  }
0xde: {  	s23 =	sadd.s32 $0x14000, s23  }
.LBB2_11:
0xdf: {  	s6 =	sadd.s32 $0x1, s6  }
0xe0: {  	p0 =	sne.s32 s6, s11  }
.Ltmp7:
0xe1: {  	_ = 	snop;
	(pc) =	sbr.rel @p0 .LBB2_1-.Ltmp7, $4  }
0xe2: {  	_ = 	snop  }
0xe3: {  	_ =	swait.ge [sflag:s15], $0x280  }
0xe4: {  	[sflag:s15] =	ssyncset.done $0x0  }
0xe5: {  	[sflag:s15] =	ssyncadd.s32 $0xFFFFFD80  }
0xe6: {  	_ =	sfence.sel $0x180000  }
0xe7: {  	[bflag:$0x0] =	sbarrier.arrive $0xFFFF  }
0xe8: {  	p0 =	sne.s32 s7, $0x0;
	_ =	strace $0x90000047  }
0xe9: {  	s0 =	sadd.s32 @!p0 $0x100000, s0;
	[bflag:$0x2] =	sbarrier.arrive $0xFFFF  }
0xea: {  	[sflag:s0] =	ssyncadd.tile.s32 @!p0 $0x1;
	_ =	shalt  }
.Lfunc_end2:
_tile_overlayer_lowered:
.L_overlay_start_2:
0xeb: {  	(tag) =	ssettag $0x2  }
0xec: {  	s0 =	rddreg [dreg:$0x0];
	s2 =	stileid.u32  }
0xed: {  	s1 =	rddreg [dreg:$0x1];
	p0 =	sne.s32 s2, $0x0  }
0xee: {  	s3 =	rddreg [dreg:$0x2];
	[bflag:$0x3] =	sbarrier.arrive $0xFFFF;
	s2 =	simm.s32 @!p0 $0x1C02  }
0xef: {  	[timem:s3], [sflag:s2] =	dma.local @!p0 [hbm:s0], s1  }
0xf0: {  	s0 =	simm.s32 @!p0 $0x2  }
0xf1: {  	_ =	swait.ge @!p0 [sflag:s0], s1  }
0xf2: {  	s1 =	ssub.s32 @!p0 $0x0, s1;
	[sflag:s0] =	ssyncset.done @!p0 $0x0  }
0xf3: {  	[sflag:s0] =	ssyncadd.s32 @!p0 s1  }
0xf4: {  	[bflag:$0x3] =	sbarrier.arrive $0xFFFF  }
0xf5: {  	_ =	shalt  }

</sc_bundles>
